<compile_context>
chip_gen: v7x
topology: tpu7x:2x2x1
jax: 0.10.2.dev20260603
libtpu: 0.0.44.dev20260713+nightly
codegen_flags: <defaults>
</compile_context>

<pallas_src>
import functools

import jax
import jax.numpy as jnp
from jax import lax
from jax.experimental import pallas as pl
from jax.experimental.pallas import tpu as pltpu
from jax.experimental.pallas import tpu_sc as plsc

_N = 10000
_E = 320000
_DIN = 128
_H = 256
_DOUT = 128

_NP = 10240
_C = 128
_NTILES = 32
_EP = 327680
_CH = _EP // (_NTILES * _C)
_RPT = _NP // 16
_D = 128

_FAST_C = 1
_CHF = 122
_CHS = 38


def _sc_segsum(table, src_f, dst_f, with_deg, dtype=jnp.float32):
    mesh = plsc.VectorSubcoreMesh(core_axis_name="c", subcore_axis_name="s")

    out_type = [jax.ShapeDtypeStruct((2 * _NP, _D), dtype)]
    scratch = [
        pltpu.VMEM_SHARED((_NP, _D), dtype),
        pltpu.VMEM((_C,), jnp.int32),
        pltpu.VMEM((_C,), jnp.int32),
        pltpu.VMEM((_C,), jnp.int32),
        pltpu.VMEM((_C,), jnp.int32),
        pltpu.VMEM((_C, _D), dtype),
        pltpu.VMEM((_C, _D), dtype),
        pltpu.SemaphoreType.DMA,
        pltpu.SemaphoreType.DMA,
        pltpu.SemaphoreType.DMA,
        pltpu.SemaphoreType.DMA,
        pltpu.SemaphoreType.DMA,
        pltpu.SemaphoreType.DMA,
    ]
    if with_deg:
        out_type.append(jax.ShapeDtypeStruct((2 * _NP,), jnp.float32))
        scratch.append(pltpu.VMEM_SHARED((_NP,), jnp.float32))
        scratch.append(pltpu.VMEM((_C,), jnp.float32))

    @functools.partial(pl.kernel, mesh=mesh, out_type=out_type,
                       scratch_types=scratch)
    def k(table_h, src_h, dst_h, *refs):
        if with_deg:
            (out_h, deg_h, acc, isc0, isc1, idc0, idc1, rows0, rows1,
             semg0, semg1, semis0, semis1, semid0, semid1,
             deg_sh, ones_v) = refs
        else:
            (out_h, acc, isc0, isc1, idc0, idc1, rows0, rows1,
             semg0, semg1, semis0, semis1, semid0, semid1) = refs
        rows = (rows0, rows1)
        semg = (semg0, semg1)
        semis = (semis0, semis1)
        semid = (semid0, semid1)
        iscs = (isc0, isc1)
        idcs = (idc0, idc1)
        c = lax.axis_index("c")
        s = lax.axis_index("s")
        is_fast = c == _FAST_C
        ch_t = jnp.where(is_fast, _CHF, _CHS)
        base = jnp.where(is_fast, s * _CHF, 16 * _CHF + s * _CHS) * _C

        if dtype == jnp.float32:
            def zrow(r, _):
                def zcol(cc, _):
                    rows0[r, pl.ds(cc * 16, 16)] = jnp.zeros((16,), dtype)
                    return 0
                return lax.fori_loop(0, _D // 16, zcol, 0)
            lax.fori_loop(0, _C, zrow, 0)
        else:
            def zrow(r, _):
                def zcol(cc, _):
                    rows0[pl.ds(r * 2, 2), pl.ds(cc * 16, 16)] = (
                        jnp.zeros((2, 16), dtype))
                    return 0
                return lax.fori_loop(0, _D // 16, zcol, 0)
            lax.fori_loop(0, _C // 2, zrow, 0)

        def zacc(j, _):
            pltpu.sync_copy(rows0, acc.at[pl.ds(s * _RPT + j * _C, _C)])
            return 0
        lax.fori_loop(0, _RPT // _C, zacc, 0)

        if with_deg:
            def zone(k2, _):
                ones_v[pl.ds(k2 * 16, 16)] = jnp.ones((16,), jnp.float32)
                return 0
            lax.fori_loop(0, _C // 16, zone, 0)

            def zdeg(j, _):
                pltpu.sync_copy(rows0.at[0],
                                deg_sh.at[pl.ds(s * _RPT + j * _D, _D)])
                return 0
            lax.fori_loop(0, _RPT // _D, zdeg, 0)
        plsc.subcore_barrier()

        def load_is(j, b):
            pltpu.async_copy(src_h.at[pl.ds(base + j * _C, _C)],
                             iscs[b], semis[b])

        def load_id(j, b):
            pltpu.async_copy(dst_h.at[pl.ds(base + j * _C, _C)],
                             idcs[b], semid[b])

        def wait_is(j, b):
            pltpu.make_async_copy(src_h.at[pl.ds(base + j * _C, _C)],
                                  iscs[b], semis[b]).wait()

        def wait_id(j, b):
            pltpu.make_async_copy(dst_h.at[pl.ds(base + j * _C, _C)],
                                  idcs[b], semid[b]).wait()

        def gath(b):
            pltpu.async_copy(table_h.at[iscs[b]], rows[b], semg[b])

        def wait_g(b):
            pltpu.make_async_copy(table_h.at[iscs[b]], rows[b],
                                  semg[b]).wait()

        def scat(b):
            pltpu.sync_copy(rows[b], acc.at[idcs[b]], add=True)
            if with_deg:
                pltpu.sync_copy(ones_v, deg_sh.at[idcs[b]], add=True)

        load_is(0, 0)
        load_id(0, 0)
        load_is(1, 1)
        load_id(1, 1)
        wait_is(0, 0)
        gath(0)

        def edge(g, _):
            j = g * 2
            wait_is(j + 1, 1)
            gath(1)
            wait_g(0)
            load_is(j + 2, 0)
            wait_id(j, 0)
            scat(0)
            load_id(j + 2, 0)
            wait_is(j + 2, 0)
            gath(0)
            wait_g(1)
            load_is(j + 3, 1)
            wait_id(j + 1, 1)
            scat(1)
            load_id(j + 3, 1)
            return 0
        lax.fori_loop(0, ch_t // 2, edge, 0)
        wait_g(0)
        wait_is(ch_t + 1, 1)
        wait_id(ch_t, 0)
        wait_id(ch_t + 1, 1)
        plsc.subcore_barrier()

        def cpout(j, _):
            r0 = s * _RPT + j * _C
            pltpu.sync_copy(acc.at[pl.ds(r0, _C)],
                            out_h.at[pl.ds(c * _NP + r0, _C)])
            return 0
        lax.fori_loop(0, _RPT // _C, cpout, 0)
        if with_deg:
            pltpu.sync_copy(deg_sh.at[pl.ds(s * _RPT, _RPT)],
                            deg_h.at[pl.ds(c * _NP + s * _RPT, _RPT)])

    return k(table, src_f, dst_f)


_BR = 512


def _tc1_body(p0, p1, d0, d1, xb, w1l, w1r, b1, w2l, w2r, b2, y_ref, z_ref):
    deg = jnp.maximum(d0[...] + d1[...], 1.0)
    agg = (p0[...] + p1[...]) / deg
    h = jnp.dot(agg, w1l[...], preferred_element_type=jnp.float32)
    h += jnp.dot(xb[...], w1r[...], preferred_element_type=jnp.float32)
    h = jnp.maximum(h + b1[...], 0.0)
    y_ref[...] = jnp.dot(h, w2l[...], preferred_element_type=jnp.float32)
    z_ref[...] = jnp.dot(h, w2r[...], preferred_element_type=jnp.float32) + b2[...]


def _tc2_body(a0, a1, d0, d1, zb, out_ref):
    deg = jnp.maximum(d0[...] + d1[...], 1.0)
    u = (a0[...] + a1[...]) / deg + zb[...]
    nrm = jnp.sqrt(jnp.sum(u * u, axis=1, keepdims=True))
    out_ref[...] = u / jnp.maximum(nrm, 1e-12)


def kernel(x, edge_index, W1l, W1r, b1, W2l, W2r, b2):
    f32 = jnp.float32
    x_pad = jnp.concatenate([x, jnp.zeros((_NP - _N, _DIN), f32)], axis=0)
    src = jnp.concatenate(
        [edge_index[0], jnp.zeros((_EP + 2 * _C - _E,), jnp.int32)])
    dst = jnp.concatenate(
        [edge_index[1], jnp.full((_EP + 2 * _C - _E,), _N, jnp.int32)])

    p, deg = _sc_segsum(x_pad, src, dst, True)
    deg = deg.reshape(2 * _NP, 1)

    nb = _NP // _BR
    grid = (nb,)
    b1r = b1.reshape(1, _H)
    b2r = b2.reshape(1, _DOUT)

    y, z = pl.pallas_call(
        _tc1_body,
        grid=grid,
        in_specs=[
            pl.BlockSpec((_BR, _D), lambda i: (i, 0)),
            pl.BlockSpec((_BR, _D), lambda i: (i + nb, 0)),
            pl.BlockSpec((_BR, 1), lambda i: (i, 0)),
            pl.BlockSpec((_BR, 1), lambda i: (i + nb, 0)),
            pl.BlockSpec((_BR, 128), lambda i: (i, 0)),
            pl.BlockSpec((_DIN, _H), lambda i: (0, 0)),
            pl.BlockSpec((_DIN, _H), lambda i: (0, 0)),
            pl.BlockSpec((1, _H), lambda i: (0, 0)),
            pl.BlockSpec((_H, _DOUT), lambda i: (0, 0)),
            pl.BlockSpec((_H, _DOUT), lambda i: (0, 0)),
            pl.BlockSpec((1, _DOUT), lambda i: (0, 0)),
        ],
        out_specs=[
            pl.BlockSpec((_BR, _DOUT), lambda i: (i, 0)),
            pl.BlockSpec((_BR, _DOUT), lambda i: (i, 0)),
        ],
        out_shape=[
            jax.ShapeDtypeStruct((_NP, _DOUT), f32),
            jax.ShapeDtypeStruct((_NP, _DOUT), f32),
        ],
    )(p, p, deg, deg, x_pad, W1l, W1r, b1r, W2l, W2r, b2r)

    q = _sc_segsum(y, src, dst, False)[0]

    out = pl.pallas_call(
        _tc2_body,
        grid=grid,
        in_specs=[
            pl.BlockSpec((_BR, _DOUT), lambda i: (i, 0)),
            pl.BlockSpec((_BR, _DOUT), lambda i: (i + nb, 0)),
            pl.BlockSpec((_BR, 1), lambda i: (i, 0)),
            pl.BlockSpec((_BR, 1), lambda i: (i + nb, 0)),
            pl.BlockSpec((_BR, _DOUT), lambda i: (i, 0)),
        ],
        out_specs=pl.BlockSpec((_BR, _DOUT), lambda i: (i, 0)),
        out_shape=jax.ShapeDtypeStruct((_NP, _DOUT), f32),
    )(q, q, deg, deg, z)

    return out[:_N]

# --- scband reference (transcript-rebuilt; emitter-appended) ---
"""Pipeline reference for scband-graph-sage-16381005267301 (READ-ONLY COPY).

The authoritative reference and input builder live on the scoring server;
editing this copy changes nothing except your own understanding.
"""

import jax, jax.numpy as jnp
import numpy as np

N = 10000
E = 320000
DIN = 128
H = 256
DOUT = 128


def setup_inputs(seed: int = 0) -> dict:
    key = jax.random.key(seed)
    ks = jax.random.split(key, 9)
    x = jax.random.normal(ks[0], (N, DIN), dtype=jnp.float32)
    edge_index = jax.random.randint(ks[1], (2, E), 0, N, dtype=jnp.int32)
    W1l = jax.random.normal(ks[2], (DIN, H), dtype=jnp.float32) * (1.0 / np.sqrt(DIN))
    W1r = jax.random.normal(ks[3], (DIN, H), dtype=jnp.float32) * (1.0 / np.sqrt(DIN))
    b1 = jnp.zeros((H,), dtype=jnp.float32)
    W2l = jax.random.normal(ks[4], (H, DOUT), dtype=jnp.float32) * (1.0 / np.sqrt(H))
    W2r = jax.random.normal(ks[5], (H, DOUT), dtype=jnp.float32) * (1.0 / np.sqrt(H))
    b2 = jnp.zeros((DOUT,), dtype=jnp.float32)
    return {"x": x, "edge_index": edge_index, "W1l": W1l, "W1r": W1r, "b1": b1, "W2l": W2l, "W2r": W2r, "b2": b2}


def _sage_conv(x, src, dst, Wl, Wr, b, n_nodes):
    # PyG SAGEConv with mean aggregation:
    # out = lin_l(mean_{j in N(i)} x_j) + lin_r(x_i)
    msgs = jnp.take(x, src, axis=0)                          # gather [E, d]
    agg = jax.ops.segment_sum(msgs, dst, num_segments=n_nodes)  # scatter-add [N, d]
    deg = jax.ops.segment_sum(jnp.ones((src.shape[0],), dtype=x.dtype), dst, num_segments=n_nodes)
    deg = jnp.maximum(deg, 1.0)
    agg = agg / deg[:, None]
    return agg @ Wl + x @ Wr + b


def reference(x, edge_index, W1l, W1r, b1, W2l, W2r, b2):
    src = edge_index[0]
    dst = edge_index[1]
    h = _sage_conv(x, src, dst, W1l, W1r, b1, N)
    h = jax.nn.relu(h)
    out = _sage_conv(h, src, dst, W2l, W2r, b2, N)
    # F.normalize(out, p=2, dim=-1)
    norm = jnp.linalg.norm(out, ord=2, axis=-1, keepdims=True)
    out = out / jnp.maximum(norm, 1e-12)
    return out

if __name__ == "__main__":
    import jax
    _d = setup_inputs()
    print(jax.jit(kernel)(*tuple(_d.values())))

</pallas_src>

<mosaic_0001>
#map = affine_map<(d0, d1) -> (0, 0)>
#map1 = affine_map<(d0, d1) -> (0)>
module attributes {stable_mosaic.version = 14 : i64} {
  func.func @k(%arg0: i32, %arg1: i32, %arg2: memref<10240x128xf32, #tpu.memory_space<hbm>>, %arg3: memref<327936xi32, #tpu.memory_space<hbm>>, %arg4: memref<327936xi32, #tpu.memory_space<hbm>>, %arg5: memref<20480x128xf32, #tpu.memory_space<hbm>>, %arg6: memref<20480xf32, #tpu.memory_space<hbm>>, %arg7: memref<10240x128xf32, #tpu.memory_space<vmem_shared>>, %arg8: memref<128xi32, #tpu.memory_space<vmem>>, %arg9: memref<128xi32, #tpu.memory_space<vmem>>, %arg10: memref<128xi32, #tpu.memory_space<vmem>>, %arg11: memref<128xi32, #tpu.memory_space<vmem>>, %arg12: memref<128x128xf32, #tpu.memory_space<vmem>>, %arg13: memref<128x128xf32, #tpu.memory_space<vmem>>, %arg14: memref<!tpu.dma_semaphore, #tpu.memory_space<semaphore_mem>>, %arg15: memref<!tpu.dma_semaphore, #tpu.memory_space<semaphore_mem>>, %arg16: memref<!tpu.dma_semaphore, #tpu.memory_space<semaphore_mem>>, %arg17: memref<!tpu.dma_semaphore, #tpu.memory_space<semaphore_mem>>, %arg18: memref<!tpu.dma_semaphore, #tpu.memory_space<semaphore_mem>>, %arg19: memref<!tpu.dma_semaphore, #tpu.memory_space<semaphore_mem>>, %arg20: memref<10240xf32, #tpu.memory_space<vmem_shared>>, %arg21: memref<128xf32, #tpu.memory_space<vmem>>) attributes {dimension_semantics = [#tpu.dimension_semantics<core_parallel>, #tpu.dimension_semantics<subcore_parallel>], iteration_bounds = array<i64: 2, 16>, scalar_prefetch = 0 : i64, scratch_operands = 15 : i64, tpu.core_type = #tpu.core_type<sc_vector_subcore>, window_params = [{transform_indices = #map}, {transform_indices = #map1}, {transform_indices = #map1}, {transform_indices = #map}, {transform_indices = #map1}]} {
    %eq3A = arith.constant 1 : i32
    %eq3A_0 = arith.cmpi eq, %arg0, %eq3A : i32
    %jit3A = arith.constant 122 : i32
    %jit3A_1 = arith.constant 38 : i32
    %select_n3A = arith.select %eq3A_0, %jit3A, %jit3A_1 : i32
    %mul3A = arith.constant 122 : i32
    %mul3A_2 = arith.muli %arg1, %mul3A : i32
    %mul3A_3 = arith.constant 38 : i32
    %mul3A_4 = arith.muli %arg1, %mul3A_3 : i32
    %add3A = arith.constant 1952 : i32
    %add3A_5 = arith.addi %add3A, %mul3A_4 : i32
    %select_n3A_6 = arith.select %eq3A_0, %mul3A_2, %add3A_5 : i32
    %mul3A_7 = arith.constant 128 : i32
    %mul3A_8 = arith.muli %select_n3A_6, %mul3A_7 : i32
    %scan3A = arith.constant 0 : i32
    %scan3A_9 = arith.constant 0 : i32
    %scan3A_10 = arith.constant 128 : i32
    %scan3A_11 = arith.addi %scan3A_9, %scan3A_10 : i32
    %scan3A_12 = arith.constant 1 : i32
    %scan3A_13 = scf.for %scan3A_123 = %scan3A_9 to %scan3A_11 step %scan3A_12 iter_args(%scan3A_124 = %scan3A) -> (i32)  : i32 {
      %scan3A_125 = arith.constant 0 : i32
      %scan3A_126 = arith.constant 0 : i32
      %scan3A_127 = arith.constant 8 : i32
      %scan3A_128 = arith.addi %scan3A_126, %scan3A_127 : i32
      %scan3A_129 = arith.constant 1 : i32
      %scan3A_130 = scf.for %scan3A_132 = %scan3A_126 to %scan3A_128 step %scan3A_129 iter_args(%scan3A_133 = %scan3A_125) -> (i32)  : i32 {
        %broadcast_in_dim3A = arith.constant 0.000000e+00 : f32
        %broadcast_in_dim3A_134 = vector.broadcast %broadcast_in_dim3A : f32 to vector<16xf32>
        %mul3A_135 = arith.constant 16 : i32
        %mul3A_136 = arith.muli %scan3A_132, %mul3A_135 : i32
        %swap3A = arith.index_cast %scan3A_123 : i32 to index
        %swap3A_137 = arith.index_cast %mul3A_136 : i32 to index
        %swap3A_138 = tpu.vector_load %arg12[%swap3A, %swap3A_137] {strides = array<i32>} : memref<128x128xf32, #tpu.memory_space<vmem>>, vector<1x16xf32>,
        %swap3A_139 = vector.shape_cast %swap3A_138 : vector<1x16xf32> to vector<16xf32>
        %swap3A_140 = vector.shape_cast %broadcast_in_dim3A_134 : vector<16xf32> to vector<1x16xf32>
        tpu.vector_store %arg12[%swap3A, %swap3A_137], %swap3A_140 {strides = array<i32>} : memref<128x128xf32, #tpu.memory_space<vmem>>, vector<1x16xf32>,
        %scan3A_141 = arith.constant 0 : i32
        scf.yield %scan3A_141 : i32
      }
      %scan3A_131 = arith.constant 8 : i32
      scf.yield %scan3A_130 : i32
    }
    %scan3A_14 = arith.constant 128 : i32
    %scan3A_15 = arith.constant 0 : i32
    %scan3A_16 = arith.constant 0 : i32
    %scan3A_17 = arith.constant 5 : i32
    %scan3A_18 = arith.addi %scan3A_16, %scan3A_17 : i32
    %scan3A_19 = arith.constant 1 : i32
    %scan3A_20 = scf.for %scan3A_123 = %scan3A_16 to %scan3A_18 step %scan3A_19 iter_args(%scan3A_124 = %scan3A_15) -> (i32)  : i32 {
      %mul3A_125 = arith.constant 640 : i32
      %mul3A_126 = arith.muli %arg1, %mul3A_125 : i32
      %mul3A_127 = arith.constant 128 : i32
      %mul3A_128 = arith.muli %scan3A_123, %mul3A_127 : i32
      %add3A_129 = arith.addi %mul3A_126, %mul3A_128 : i32
      "tpu.region"() ({
        %run_scoped3A = tpu.sem_alloc : memref<!tpu.dma_semaphore, #tpu.memory_space<semaphore_mem>>
        %dma_start3A_131 = arith.constant 0 : i32
        %dma_start3A_132 = tpu.memref_slice %arg7[%add3A_129, %dma_start3A_131] : memref<10240x128xf32, #tpu.memory_space<vmem_shared>> -> memref<128x128xf32, #tpu.memory_space<vmem_shared>>
        %dma_start3A_133 = arith.constant 0 : i32
        %dma_start3A_134 = tpu.memref_slice %arg7[%add3A_129, %dma_start3A_133] : memref<10240x128xf32, #tpu.memory_space<vmem_shared>> -> memref<128x128xf32, #tpu.memory_space<vmem_shared>>
        tpu.enqueue_dma source(%arg12 : memref<128x128xf32, #tpu.memory_space<vmem>>) target(%dma_start3A_134 : memref<128x128xf32, #tpu.memory_space<vmem_shared>>) target_semaphore(%run_scoped3A : memref<!tpu.dma_semaphore, #tpu.memory_space<semaphore_mem>>)
        %dma_wait3A_135 = arith.constant 0 : i32
        %dma_wait3A_136 = tpu.memref_slice %arg7[%add3A_129, %dma_wait3A_135] : memref<10240x128xf32, #tpu.memory_space<vmem_shared>> -> memref<128x128xf32, #tpu.memory_space<vmem_shared>>
        %dma_wait3A_137 = arith.constant 0 : i32
        %dma_wait3A_138 = tpu.memref_slice %arg7[%add3A_129, %dma_wait3A_137] : memref<10240x128xf32, #tpu.memory_space<vmem_shared>> -> memref<128x128xf32, #tpu.memory_space<vmem_shared>>
        tpu.wait_dma2 semaphore(%run_scoped3A : memref<!tpu.dma_semaphore, #tpu.memory_space<semaphore_mem>>) src(%arg12 : memref<128x128xf32, #tpu.memory_space<vmem>>) dst(%dma_wait3A_138 : memref<128x128xf32, #tpu.memory_space<vmem_shared>>)
        tpu.yield
      }) : () -> ()
      %scan3A_130 = arith.constant 0 : i32
      scf.yield %scan3A_130 : i32
    }
    %scan3A_21 = arith.constant 5 : i32
    %scan3A_22 = arith.constant 0 : i32
    %scan3A_23 = arith.constant 0 : i32
    %scan3A_24 = arith.constant 8 : i32
    %scan3A_25 = arith.addi %scan3A_23, %scan3A_24 : i32
    %scan3A_26 = arith.constant 1 : i32
    %scan3A_27 = scf.for %scan3A_123 = %scan3A_23 to %scan3A_25 step %scan3A_26 iter_args(%scan3A_124 = %scan3A_22) -> (i32)  : i32 {
      %broadcast_in_dim3A = arith.constant 1.000000e+00 : f32
      %broadcast_in_dim3A_125 = vector.broadcast %broadcast_in_dim3A : f32 to vector<16xf32>
      %mul3A_126 = arith.constant 16 : i32
      %mul3A_127 = arith.muli %scan3A_123, %mul3A_126 : i32
      %swap3A = arith.index_cast %mul3A_127 : i32 to index
      %swap3A_128 = tpu.vector_load %arg21[%swap3A] {strides = array<i32>} : memref<128xf32, #tpu.memory_space<vmem>>, vector<16xf32>,
      %swap3A_129 = vector.shape_cast %swap3A_128 : vector<16xf32> to vector<16xf32>
      %swap3A_130 = vector.shape_cast %broadcast_in_dim3A_125 : vector<16xf32> to vector<16xf32>
      tpu.vector_store %arg21[%swap3A], %swap3A_130 {strides = array<i32>} : memref<128xf32, #tpu.memory_space<vmem>>, vector<16xf32>,
      %scan3A_131 = arith.constant 0 : i32
      scf.yield %scan3A_131 : i32
    }
    %scan3A_28 = arith.constant 8 : i32
    %scan3A_29 = arith.constant 0 : i32
    %scan3A_30 = arith.constant 0 : i32
    %scan3A_31 = arith.constant 5 : i32
    %scan3A_32 = arith.addi %scan3A_30, %scan3A_31 : i32
    %scan3A_33 = arith.constant 1 : i32
    %scan3A_34 = scf.for %scan3A_123 = %scan3A_30 to %scan3A_32 step %scan3A_33 iter_args(%scan3A_124 = %scan3A_29) -> (i32)  : i32 {
      %mul3A_125 = arith.constant 640 : i32
      %mul3A_126 = arith.muli %arg1, %mul3A_125 : i32
      %mul3A_127 = arith.constant 128 : i32
      %mul3A_128 = arith.muli %scan3A_123, %mul3A_127 : i32
      %add3A_129 = arith.addi %mul3A_126, %mul3A_128 : i32
      %run_scoped3A = arith.constant 0 : i32
      "tpu.region"() ({
        %run_scoped3A_131 = tpu.sem_alloc : memref<!tpu.dma_semaphore, #tpu.memory_space<semaphore_mem>>
        %dma_start3A_132 = arith.constant 0 : i32
        %dma_start3A_133 = tpu.memref_slice %arg12[%run_scoped3A, %dma_start3A_132] : memref<128x128xf32, #tpu.memory_space<vmem>> -> memref<1x128xf32, #tpu.memory_space<vmem>>
        %dma_start3A_134 = tpu.memref_squeeze %dma_start3A_133 : memref<1x128xf32, #tpu.memory_space<vmem>> -> memref<128xf32, #tpu.memory_space<vmem>>
        %dma_start3A_135 = tpu.memref_slice %arg20[%add3A_129] : memref<10240xf32, #tpu.memory_space<vmem_shared>> -> memref<128xf32, #tpu.memory_space<vmem_shared>>
        %dma_start3A_136 = tpu.memref_slice %arg20[%add3A_129] : memref<10240xf32, #tpu.memory_space<vmem_shared>> -> memref<128xf32, #tpu.memory_space<vmem_shared>>
        %dma_start3A_137 = arith.constant 0 : i32
        %dma_start3A_138 = tpu.memref_slice %arg12[%run_scoped3A, %dma_start3A_137] : memref<128x128xf32, #tpu.memory_space<vmem>> -> memref<1x128xf32, #tpu.memory_space<vmem>>
        %dma_start3A_139 = tpu.memref_squeeze %dma_start3A_138 : memref<1x128xf32, #tpu.memory_space<vmem>> -> memref<128xf32, #tpu.memory_space<vmem>>
        tpu.enqueue_dma source(%dma_start3A_139 : memref<128xf32, #tpu.memory_space<vmem>>) target(%dma_start3A_136 : memref<128xf32, #tpu.memory_space<vmem_shared>>) target_semaphore(%run_scoped3A_131 : memref<!tpu.dma_semaphore, #tpu.memory_space<semaphore_mem>>)
        %dma_wait3A_140 = arith.constant 0 : i32
        %dma_wait3A_141 = tpu.memref_slice %arg12[%run_scoped3A, %dma_wait3A_140] : memref<128x128xf32, #tpu.memory_space<vmem>> -> memref<1x128xf32, #tpu.memory_space<vmem>>
        %dma_wait3A_142 = tpu.memref_squeeze %dma_wait3A_141 : memref<1x128xf32, #tpu.memory_space<vmem>> -> memref<128xf32, #tpu.memory_space<vmem>>
        %dma_wait3A_143 = tpu.memref_slice %arg20[%add3A_129] : memref<10240xf32, #tpu.memory_space<vmem_shared>> -> memref<128xf32, #tpu.memory_space<vmem_shared>>
        %dma_wait3A_144 = tpu.memref_slice %arg20[%add3A_129] : memref<10240xf32, #tpu.memory_space<vmem_shared>> -> memref<128xf32, #tpu.memory_space<vmem_shared>>
        %dma_wait3A_145 = arith.constant 0 : i32
        %dma_wait3A_146 = tpu.memref_slice %arg12[%run_scoped3A, %dma_wait3A_145] : memref<128x128xf32, #tpu.memory_space<vmem>> -> memref<1x128xf32, #tpu.memory_space<vmem>>
        %dma_wait3A_147 = tpu.memref_squeeze %dma_wait3A_146 : memref<1x128xf32, #tpu.memory_space<vmem>> -> memref<128xf32, #tpu.memory_space<vmem>>
        tpu.wait_dma2 semaphore(%run_scoped3A_131 : memref<!tpu.dma_semaphore, #tpu.memory_space<semaphore_mem>>) src(%dma_wait3A_147 : memref<128xf32, #tpu.memory_space<vmem>>) dst(%dma_wait3A_144 : memref<128xf32, #tpu.memory_space<vmem_shared>>)
        tpu.yield
      }) : () -> ()
      %scan3A_130 = arith.constant 0 : i32
      scf.yield %scan3A_130 : i32
    }
    %scan3A_35 = arith.constant 5 : i32
    %barrier3A = arith.constant 0 : index
    tpu.barrier barrier_id(%barrier3A)
    %add3A_36 = arith.constant 0 : i32
    %add3A_37 = arith.addi %mul3A_8, %add3A_36 : i32
    %dma_start3A = tpu.memref_slice %arg3[%add3A_37] : memref<327936xi32, #tpu.memory_space<hbm>> -> memref<128xi32, #tpu.memory_space<hbm>>
    %dma_start3A_38 = tpu.memref_slice %arg3[%add3A_37] : memref<327936xi32, #tpu.memory_space<hbm>> -> memref<128xi32, #tpu.memory_space<hbm>>
    tpu.enqueue_dma source(%dma_start3A_38 : memref<128xi32, #tpu.memory_space<hbm>>) target(%arg8 : memref<128xi32, #tpu.memory_space<vmem>>) target_semaphore(%arg16 : memref<!tpu.dma_semaphore, #tpu.memory_space<semaphore_mem>>)
    %add3A_39 = arith.constant 0 : i32
    %add3A_40 = arith.addi %mul3A_8, %add3A_39 : i32
    %dma_start3A_41 = tpu.memref_slice %arg4[%add3A_40] : memref<327936xi32, #tpu.memory_space<hbm>> -> memref<128xi32, #tpu.memory_space<hbm>>
    %dma_start3A_42 = tpu.memref_slice %arg4[%add3A_40] : memref<327936xi32, #tpu.memory_space<hbm>> -> memref<128xi32, #tpu.memory_space<hbm>>
    tpu.enqueue_dma source(%dma_start3A_42 : memref<128xi32, #tpu.memory_space<hbm>>) target(%arg10 : memref<128xi32, #tpu.memory_space<vmem>>) target_semaphore(%arg18 : memref<!tpu.dma_semaphore, #tpu.memory_space<semaphore_mem>>)
    %add3A_43 = arith.constant 128 : i32
    %add3A_44 = arith.addi %mul3A_8, %add3A_43 : i32
    %dma_start3A_45 = tpu.memref_slice %arg3[%add3A_44] : memref<327936xi32, #tpu.memory_space<hbm>> -> memref<128xi32, #tpu.memory_space<hbm>>
    %dma_start3A_46 = tpu.memref_slice %arg3[%add3A_44] : memref<327936xi32, #tpu.memory_space<hbm>> -> memref<128xi32, #tpu.memory_space<hbm>>
    tpu.enqueue_dma source(%dma_start3A_46 : memref<128xi32, #tpu.memory_space<hbm>>) target(%arg9 : memref<128xi32, #tpu.memory_space<vmem>>) target_semaphore(%arg17 : memref<!tpu.dma_semaphore, #tpu.memory_space<semaphore_mem>>)
    %add3A_47 = arith.constant 128 : i32
    %add3A_48 = arith.addi %mul3A_8, %add3A_47 : i32
    %dma_start3A_49 = tpu.memref_slice %arg4[%add3A_48] : memref<327936xi32, #tpu.memory_space<hbm>> -> memref<128xi32, #tpu.memory_space<hbm>>
    %dma_start3A_50 = tpu.memref_slice %arg4[%add3A_48] : memref<327936xi32, #tpu.memory_space<hbm>> -> memref<128xi32, #tpu.memory_space<hbm>>
    tpu.enqueue_dma source(%dma_start3A_50 : memref<128xi32, #tpu.memory_space<hbm>>) target(%arg11 : memref<128xi32, #tpu.memory_space<vmem>>) target_semaphore(%arg19 : memref<!tpu.dma_semaphore, #tpu.memory_space<semaphore_mem>>)
    %add3A_51 = arith.constant 0 : i32
    %add3A_52 = arith.addi %mul3A_8, %add3A_51 : i32
    %dma_wait3A = tpu.memref_slice %arg3[%add3A_52] : memref<327936xi32, #tpu.memory_space<hbm>> -> memref<128xi32, #tpu.memory_space<hbm>>
    %dma_wait3A_53 = tpu.memref_slice %arg3[%add3A_52] : memref<327936xi32, #tpu.memory_space<hbm>> -> memref<128xi32, #tpu.memory_space<hbm>>
    tpu.wait_dma2 semaphore(%arg16 : memref<!tpu.dma_semaphore, #tpu.memory_space<semaphore_mem>>) src(%dma_wait3A_53 : memref<128xi32, #tpu.memory_space<hbm>>) dst(%arg8 : memref<128xi32, #tpu.memory_space<vmem>>)
    %dma_start3A_54 = arith.constant 0 : i32
    %dma_start3A_55 = arith.constant 0 : i32
    %dma_start3A_56 = tpu.memref_slice %arg2[%dma_start3A_54, %dma_start3A_55] : memref<10240x128xf32, #tpu.memory_space<hbm>> -> memref<10240x128xf32, #tpu.memory_space<hbm>>
    tpu.enqueue_indirect_dma source(%dma_start3A_56 : memref<10240x128xf32, #tpu.memory_space<hbm>>) target(%arg12 : memref<128x128xf32, #tpu.memory_space<vmem>>) offsets(%arg8 : memref<128xi32, #tpu.memory_space<vmem>>) semaphore(%arg14 : memref<!tpu.dma_semaphore, #tpu.memory_space<semaphore_mem>>)
    %jit3A_57 = arith.constant 2 : i32
    %div3A = arith.divsi %select_n3A, %jit3A_57 : i32
    %sign3A = arith.constant 0 : i32
    %sign3A_58 = arith.cmpi sgt, %select_n3A, %sign3A : i32
    %sign3A_59 = arith.extui %sign3A_58 : i1 to i32
    %sign3A_60 = arith.constant 0 : i32
    %sign3A_61 = arith.cmpi slt, %select_n3A, %sign3A_60 : i32
    %sign3A_62 = arith.extui %sign3A_61 : i1 to i32
    %sign3A_63 = arith.subi %sign3A_59, %sign3A_62 : i32
    %sign3A_64 = arith.constant 0 : i32
    %sign3A_65 = arith.cmpi sgt, %jit3A_57, %sign3A_64 : i32
    %sign3A_66 = arith.extui %sign3A_65 : i1 to i32
    %sign3A_67 = arith.constant 0 : i32
    %sign3A_68 = arith.cmpi slt, %jit3A_57, %sign3A_67 : i32
    %sign3A_69 = arith.extui %sign3A_68 : i1 to i32
    %sign3A_70 = arith.subi %sign3A_66, %sign3A_69 : i32
    %ne3A = arith.cmpi ne, %sign3A_63, %sign3A_70 : i32
    %rem3A = arith.remsi %select_n3A, %jit3A_57 : i32
    %ne3A_71 = arith.constant 0 : i32
    %ne3A_72 = arith.cmpi ne, %rem3A, %ne3A_71 : i32
    %and3A = arith.andi %ne3A, %ne3A_72 : i1
    %sub3A = arith.constant 1 : i32
    %sub3A_73 = arith.subi %div3A, %sub3A : i32
    %select_n3A_74 = arith.select %and3A, %sub3A_73, %div3A : i32
    %while3A = arith.constant 0 : i32
    %while3A_75 = arith.constant 0 : i32
    %while3A_76 = arith.subi %select_n3A_74, %while3A : i32
    %while3A_77 = arith.addi %while3A, %while3A_76 : i32
    %while3A_78 = arith.constant 1 : i32
    %while3A_79 = arith.divsi %while3A_76, %while3A_78 : i32
    %while3A_80 = arith.muli %while3A_79, %while3A_78 : i32
    %while3A_81 = arith.addi %while3A, %while3A_80 : i32
    %while3A_82 = arith.constant 1 : i32
    %while3A_83 = scf.for %while3A_123 = %while3A to %while3A_81 step %while3A_82 iter_args(%while3A_124 = %while3A_75) -> (i32)  : i32 {
      %mul3A_125 = arith.constant 2 : i32
      %mul3A_126 = arith.muli %while3A_123, %mul3A_125 : i32
      %add3A_127 = arith.constant 1 : i32
      %add3A_128 = arith.addi %mul3A_126, %add3A_127 : i32
      %mul3A_129 = arith.constant 128 : i32
      %mul3A_130 = arith.muli %add3A_128, %mul3A_129 : i32
      %add3A_131 = arith.addi %mul3A_8, %mul3A_130 : i32
      %dma_wait3A_132 = tpu.memref_slice %arg3[%add3A_131] : memref<327936xi32, #tpu.memory_space<hbm>> -> memref<128xi32, #tpu.memory_space<hbm>>
      %dma_wait3A_133 = tpu.memref_slice %arg3[%add3A_131] : memref<327936xi32, #tpu.memory_space<hbm>> -> memref<128xi32, #tpu.memory_space<hbm>>
      tpu.wait_dma2 semaphore(%arg17 : memref<!tpu.dma_semaphore, #tpu.memory_space<semaphore_mem>>) src(%dma_wait3A_133 : memref<128xi32, #tpu.memory_space<hbm>>) dst(%arg9 : memref<128xi32, #tpu.memory_space<vmem>>)
      %dma_start3A_134 = arith.constant 0 : i32
      %dma_start3A_135 = arith.constant 0 : i32
      %dma_start3A_136 = tpu.memref_slice %arg2[%dma_start3A_134, %dma_start3A_135] : memref<10240x128xf32, #tpu.memory_space<hbm>> -> memref<10240x128xf32, #tpu.memory_space<hbm>>
      tpu.enqueue_indirect_dma source(%dma_start3A_136 : memref<10240x128xf32, #tpu.memory_space<hbm>>) target(%arg13 : memref<128x128xf32, #tpu.memory_space<vmem>>) offsets(%arg9 : memref<128xi32, #tpu.memory_space<vmem>>) semaphore(%arg15 : memref<!tpu.dma_semaphore, #tpu.memory_space<semaphore_mem>>)
      %dma_wait3A_137 = arith.constant 0 : i32
      %dma_wait3A_138 = arith.constant 0 : i32
      %dma_wait3A_139 = tpu.memref_slice %arg2[%dma_wait3A_137, %dma_wait3A_138] : memref<10240x128xf32, #tpu.memory_space<hbm>> -> memref<10240x128xf32, #tpu.memory_space<hbm>>
      tpu.wait_indirect_dma semaphore(%arg14 : memref<!tpu.dma_semaphore, #tpu.memory_space<semaphore_mem>>) src(%dma_wait3A_139 : memref<10240x128xf32, #tpu.memory_space<hbm>>) dst(%arg12 : memref<128x128xf32, #tpu.memory_space<vmem>>)
      %add3A_140 = arith.constant 2 : i32
      %add3A_141 = arith.addi %mul3A_126, %add3A_140 : i32
      %mul3A_142 = arith.constant 128 : i32
      %mul3A_143 = arith.muli %add3A_141, %mul3A_142 : i32
      %add3A_144 = arith.addi %mul3A_8, %mul3A_143 : i32
      %dma_start3A_145 = tpu.memref_slice %arg3[%add3A_144] : memref<327936xi32, #tpu.memory_space<hbm>> -> memref<128xi32, #tpu.memory_space<hbm>>
      %dma_start3A_146 = tpu.memref_slice %arg3[%add3A_144] : memref<327936xi32, #tpu.memory_space<hbm>> -> memref<128xi32, #tpu.memory_space<hbm>>
      tpu.enqueue_dma source(%dma_start3A_146 : memref<128xi32, #tpu.memory_space<hbm>>) target(%arg8 : memref<128xi32, #tpu.memory_space<vmem>>) target_semaphore(%arg16 : memref<!tpu.dma_semaphore, #tpu.memory_space<semaphore_mem>>)
      %mul3A_147 = arith.constant 128 : i32
      %mul3A_148 = arith.muli %mul3A_126, %mul3A_147 : i32
      %add3A_149 = arith.addi %mul3A_8, %mul3A_148 : i32
      %dma_wait3A_150 = tpu.memref_slice %arg4[%add3A_149] : memref<327936xi32, #tpu.memory_space<hbm>> -> memref<128xi32, #tpu.memory_space<hbm>>
      %dma_wait3A_151 = tpu.memref_slice %arg4[%add3A_149] : memref<327936xi32, #tpu.memory_space<hbm>> -> memref<128xi32, #tpu.memory_space<hbm>>
      tpu.wait_dma2 semaphore(%arg18 : memref<!tpu.dma_semaphore, #tpu.memory_space<semaphore_mem>>) src(%dma_wait3A_151 : memref<128xi32, #tpu.memory_space<hbm>>) dst(%arg10 : memref<128xi32, #tpu.memory_space<vmem>>)
      "tpu.region"() ({
        %run_scoped3A = tpu.sem_alloc : memref<!tpu.dma_semaphore, #tpu.memory_space<semaphore_mem>>
        %dma_start3A_194 = arith.constant 0 : i32
        %dma_start3A_195 = arith.constant 0 : i32
        %dma_start3A_196 = tpu.memref_slice %arg7[%dma_start3A_194, %dma_start3A_195] : memref<10240x128xf32, #tpu.memory_space<vmem_shared>> -> memref<10240x128xf32, #tpu.memory_space<vmem_shared>>
        tpu.enqueue_indirect_dma source(%arg12 : memref<128x128xf32, #tpu.memory_space<vmem>>) target(%dma_start3A_196 : memref<10240x128xf32, #tpu.memory_space<vmem_shared>>) offsets(%arg10 : memref<128xi32, #tpu.memory_space<vmem>>) semaphore(%run_scoped3A : memref<!tpu.dma_semaphore, #tpu.memory_space<semaphore_mem>>) {add = true}
        %dma_wait3A_197 = arith.constant 0 : i32
        %dma_wait3A_198 = arith.constant 0 : i32
        %dma_wait3A_199 = tpu.memref_slice %arg7[%dma_wait3A_197, %dma_wait3A_198] : memref<10240x128xf32, #tpu.memory_space<vmem_shared>> -> memref<10240x128xf32, #tpu.memory_space<vmem_shared>>
        tpu.wait_indirect_dma semaphore(%run_scoped3A : memref<!tpu.dma_semaphore, #tpu.memory_space<semaphore_mem>>) src(%arg12 : memref<128x128xf32, #tpu.memory_space<vmem>>) dst(%dma_wait3A_199 : memref<10240x128xf32, #tpu.memory_space<vmem_shared>>)
        tpu.yield
      }) : () -> ()
      "tpu.region"() ({
        %run_scoped3A = tpu.sem_alloc : memref<!tpu.dma_semaphore, #tpu.memory_space<semaphore_mem>>
        %dma_start3A_194 = arith.constant 0 : i32
        %dma_start3A_195 = tpu.memref_slice %arg20[%dma_start3A_194] : memref<10240xf32, #tpu.memory_space<vmem_shared>> -> memref<10240xf32, #tpu.memory_space<vmem_shared>>
        tpu.enqueue_indirect_dma source(%arg21 : memref<128xf32, #tpu.memory_space<vmem>>) target(%dma_start3A_195 : memref<10240xf32, #tpu.memory_space<vmem_shared>>) offsets(%arg10 : memref<128xi32, #tpu.memory_space<vmem>>) semaphore(%run_scoped3A : memref<!tpu.dma_semaphore, #tpu.memory_space<semaphore_mem>>) {add = true}
        %dma_wait3A_196 = arith.constant 0 : i32
        %dma_wait3A_197 = tpu.memref_slice %arg20[%dma_wait3A_196] : memref<10240xf32, #tpu.memory_space<vmem_shared>> -> memref<10240xf32, #tpu.memory_space<vmem_shared>>
        tpu.wait_indirect_dma semaphore(%run_scoped3A : memref<!tpu.dma_semaphore, #tpu.memory_space<semaphore_mem>>) src(%arg21 : memref<128xf32, #tpu.memory_space<vmem>>) dst(%dma_wait3A_197 : memref<10240xf32, #tpu.memory_space<vmem_shared>>)
        tpu.yield
      }) : () -> ()
      %add3A_152 = arith.constant 2 : i32
      %add3A_153 = arith.addi %mul3A_126, %add3A_152 : i32
      %mul3A_154 = arith.constant 128 : i32
      %mul3A_155 = arith.muli %add3A_153, %mul3A_154 : i32
      %add3A_156 = arith.addi %mul3A_8, %mul3A_155 : i32
      %dma_start3A_157 = tpu.memref_slice %arg4[%add3A_156] : memref<327936xi32, #tpu.memory_space<hbm>> -> memref<128xi32, #tpu.memory_space<hbm>>
      %dma_start3A_158 = tpu.memref_slice %arg4[%add3A_156] : memref<327936xi32, #tpu.memory_space<hbm>> -> memref<128xi32, #tpu.memory_space<hbm>>
      tpu.enqueue_dma source(%dma_start3A_158 : memref<128xi32, #tpu.memory_space<hbm>>) target(%arg10 : memref<128xi32, #tpu.memory_space<vmem>>) target_semaphore(%arg18 : memref<!tpu.dma_semaphore, #tpu.memory_space<semaphore_mem>>)
      %add3A_159 = arith.constant 2 : i32
      %add3A_160 = arith.addi %mul3A_126, %add3A_159 : i32
      %mul3A_161 = arith.constant 128 : i32
      %mul3A_162 = arith.muli %add3A_160, %mul3A_161 : i32
      %add3A_163 = arith.addi %mul3A_8, %mul3A_162 : i32
      %dma_wait3A_164 = tpu.memref_slice %arg3[%add3A_163] : memref<327936xi32, #tpu.memory_space<hbm>> -> memref<128xi32, #tpu.memory_space<hbm>>
      %dma_wait3A_165 = tpu.memref_slice %arg3[%add3A_163] : memref<327936xi32, #tpu.memory_space<hbm>> -> memref<128xi32, #tpu.memory_space<hbm>>
      tpu.wait_dma2 semaphore(%arg16 : memref<!tpu.dma_semaphore, #tpu.memory_space<semaphore_mem>>) src(%dma_wait3A_165 : memref<128xi32, #tpu.memory_space<hbm>>) dst(%arg8 : memref<128xi32, #tpu.memory_space<vmem>>)
      %dma_start3A_166 = arith.constant 0 : i32
      %dma_start3A_167 = arith.constant 0 : i32
      %dma_start3A_168 = tpu.memref_slice %arg2[%dma_start3A_166, %dma_start3A_167] : memref<10240x128xf32, #tpu.memory_space<hbm>> -> memref<10240x128xf32, #tpu.memory_space<hbm>>
      tpu.enqueue_indirect_dma source(%dma_start3A_168 : memref<10240x128xf32, #tpu.memory_space<hbm>>) target(%arg12 : memref<128x128xf32, #tpu.memory_space<vmem>>) offsets(%arg8 : memref<128xi32, #tpu.memory_space<vmem>>) semaphore(%arg14 : memref<!tpu.dma_semaphore, #tpu.memory_space<semaphore_mem>>)
      %dma_wait3A_169 = arith.constant 0 : i32
      %dma_wait3A_170 = arith.constant 0 : i32
      %dma_wait3A_171 = tpu.memref_slice %arg2[%dma_wait3A_169, %dma_wait3A_170] : memref<10240x128xf32, #tpu.memory_space<hbm>> -> memref<10240x128xf32, #tpu.memory_space<hbm>>
      tpu.wait_indirect_dma semaphore(%arg15 : memref<!tpu.dma_semaphore, #tpu.memory_space<semaphore_mem>>) src(%dma_wait3A_171 : memref<10240x128xf32, #tpu.memory_space<hbm>>) dst(%arg13 : memref<128x128xf32, #tpu.memory_space<vmem>>)
      %add3A_172 = arith.constant 3 : i32
      %add3A_173 = arith.addi %mul3A_126, %add3A_172 : i32
      %mul3A_174 = arith.constant 128 : i32
      %mul3A_175 = arith.muli %add3A_173, %mul3A_174 : i32
      %add3A_176 = arith.addi %mul3A_8, %mul3A_175 : i32
      %dma_start3A_177 = tpu.memref_slice %arg3[%add3A_176] : memref<327936xi32, #tpu.memory_space<hbm>> -> memref<128xi32, #tpu.memory_space<hbm>>
      %dma_start3A_178 = tpu.memref_slice %arg3[%add3A_176] : memref<327936xi32, #tpu.memory_space<hbm>> -> memref<128xi32, #tpu.memory_space<hbm>>
      tpu.enqueue_dma source(%dma_start3A_178 : memref<128xi32, #tpu.memory_space<hbm>>) target(%arg9 : memref<128xi32, #tpu.memory_space<vmem>>) target_semaphore(%arg17 : memref<!tpu.dma_semaphore, #tpu.memory_space<semaphore_mem>>)
      %add3A_179 = arith.constant 1 : i32
      %add3A_180 = arith.addi %mul3A_126, %add3A_179 : i32
      %mul3A_181 = arith.constant 128 : i32
      %mul3A_182 = arith.muli %add3A_180, %mul3A_181 : i32
      %add3A_183 = arith.addi %mul3A_8, %mul3A_182 : i32
      %dma_wait3A_184 = tpu.memref_slice %arg4[%add3A_183] : memref<327936xi32, #tpu.memory_space<hbm>> -> memref<128xi32, #tpu.memory_space<hbm>>
      %dma_wait3A_185 = tpu.memref_slice %arg4[%add3A_183] : memref<327936xi32, #tpu.memory_space<hbm>> -> memref<128xi32, #tpu.memory_space<hbm>>
      tpu.wait_dma2 semaphore(%arg19 : memref<!tpu.dma_semaphore, #tpu.memory_space<semaphore_mem>>) src(%dma_wait3A_185 : memref<128xi32, #tpu.memory_space<hbm>>) dst(%arg11 : memref<128xi32, #tpu.memory_space<vmem>>)
      "tpu.region"() ({
        %run_scoped3A = tpu.sem_alloc : memref<!tpu.dma_semaphore, #tpu.memory_space<semaphore_mem>>
        %dma_start3A_194 = arith.constant 0 : i32
        %dma_start3A_195 = arith.constant 0 : i32
        %dma_start3A_196 = tpu.memref_slice %arg7[%dma_start3A_194, %dma_start3A_195] : memref<10240x128xf32, #tpu.memory_space<vmem_shared>> -> memref<10240x128xf32, #tpu.memory_space<vmem_shared>>
        tpu.enqueue_indirect_dma source(%arg13 : memref<128x128xf32, #tpu.memory_space<vmem>>) target(%dma_start3A_196 : memref<10240x128xf32, #tpu.memory_space<vmem_shared>>) offsets(%arg11 : memref<128xi32, #tpu.memory_space<vmem>>) semaphore(%run_scoped3A : memref<!tpu.dma_semaphore, #tpu.memory_space<semaphore_mem>>) {add = true}
        %dma_wait3A_197 = arith.constant 0 : i32
        %dma_wait3A_198 = arith.constant 0 : i32
        %dma_wait3A_199 = tpu.memref_slice %arg7[%dma_wait3A_197, %dma_wait3A_198] : memref<10240x128xf32, #tpu.memory_space<vmem_shared>> -> memref<10240x128xf32, #tpu.memory_space<vmem_shared>>
        tpu.wait_indirect_dma semaphore(%run_scoped3A : memref<!tpu.dma_semaphore, #tpu.memory_space<semaphore_mem>>) src(%arg13 : memref<128x128xf32, #tpu.memory_space<vmem>>) dst(%dma_wait3A_199 : memref<10240x128xf32, #tpu.memory_space<vmem_shared>>)
        tpu.yield
      }) : () -> ()
      "tpu.region"() ({
        %run_scoped3A = tpu.sem_alloc : memref<!tpu.dma_semaphore, #tpu.memory_space<semaphore_mem>>
        %dma_start3A_194 = arith.constant 0 : i32
        %dma_start3A_195 = tpu.memref_slice %arg20[%dma_start3A_194] : memref<10240xf32, #tpu.memory_space<vmem_shared>> -> memref<10240xf32, #tpu.memory_space<vmem_shared>>
        tpu.enqueue_indirect_dma source(%arg21 : memref<128xf32, #tpu.memory_space<vmem>>) target(%dma_start3A_195 : memref<10240xf32, #tpu.memory_space<vmem_shared>>) offsets(%arg11 : memref<128xi32, #tpu.memory_space<vmem>>) semaphore(%run_scoped3A : memref<!tpu.dma_semaphore, #tpu.memory_space<semaphore_mem>>) {add = true}
        %dma_wait3A_196 = arith.constant 0 : i32
        %dma_wait3A_197 = tpu.memref_slice %arg20[%dma_wait3A_196] : memref<10240xf32, #tpu.memory_space<vmem_shared>> -> memref<10240xf32, #tpu.memory_space<vmem_shared>>
        tpu.wait_indirect_dma semaphore(%run_scoped3A : memref<!tpu.dma_semaphore, #tpu.memory_space<semaphore_mem>>) src(%arg21 : memref<128xf32, #tpu.memory_space<vmem>>) dst(%dma_wait3A_197 : memref<10240xf32, #tpu.memory_space<vmem_shared>>)
        tpu.yield
      }) : () -> ()
      %add3A_186 = arith.constant 3 : i32
      %add3A_187 = arith.addi %mul3A_126, %add3A_186 : i32
      %mul3A_188 = arith.constant 128 : i32
      %mul3A_189 = arith.muli %add3A_187, %mul3A_188 : i32
      %add3A_190 = arith.addi %mul3A_8, %mul3A_189 : i32
      %dma_start3A_191 = tpu.memref_slice %arg4[%add3A_190] : memref<327936xi32, #tpu.memory_space<hbm>> -> memref<128xi32, #tpu.memory_space<hbm>>
      %dma_start3A_192 = tpu.memref_slice %arg4[%add3A_190] : memref<327936xi32, #tpu.memory_space<hbm>> -> memref<128xi32, #tpu.memory_space<hbm>>
      tpu.enqueue_dma source(%dma_start3A_192 : memref<128xi32, #tpu.memory_space<hbm>>) target(%arg11 : memref<128xi32, #tpu.memory_space<vmem>>) target_semaphore(%arg19 : memref<!tpu.dma_semaphore, #tpu.memory_space<semaphore_mem>>)
      %while3A_193 = arith.constant 0 : i32
      scf.yield %while3A_193 : i32
    }
    %while3A_84 = arith.constant 1 : i32
    %while3A_85 = scf.for %while3A_123 = %while3A_81 to %while3A_77 step %while3A_84 iter_args(%while3A_124 = %while3A_83) -> (i32)  : i32 {
      %mul3A_125 = arith.constant 2 : i32
      %mul3A_126 = arith.muli %while3A_123, %mul3A_125 : i32
      %add3A_127 = arith.constant 1 : i32
      %add3A_128 = arith.addi %mul3A_126, %add3A_127 : i32
      %mul3A_129 = arith.constant 128 : i32
      %mul3A_130 = arith.muli %add3A_128, %mul3A_129 : i32
      %add3A_131 = arith.addi %mul3A_8, %mul3A_130 : i32
      %dma_wait3A_132 = tpu.memref_slice %arg3[%add3A_131] : memref<327936xi32, #tpu.memory_space<hbm>> -> memref<128xi32, #tpu.memory_space<hbm>>
      %dma_wait3A_133 = tpu.memref_slice %arg3[%add3A_131] : memref<327936xi32, #tpu.memory_space<hbm>> -> memref<128xi32, #tpu.memory_space<hbm>>
      tpu.wait_dma2 semaphore(%arg17 : memref<!tpu.dma_semaphore, #tpu.memory_space<semaphore_mem>>) src(%dma_wait3A_133 : memref<128xi32, #tpu.memory_space<hbm>>) dst(%arg9 : memref<128xi32, #tpu.memory_space<vmem>>)
      %dma_start3A_134 = arith.constant 0 : i32
      %dma_start3A_135 = arith.constant 0 : i32
      %dma_start3A_136 = tpu.memref_slice %arg2[%dma_start3A_134, %dma_start3A_135] : memref<10240x128xf32, #tpu.memory_space<hbm>> -> memref<10240x128xf32, #tpu.memory_space<hbm>>
      tpu.enqueue_indirect_dma source(%dma_start3A_136 : memref<10240x128xf32, #tpu.memory_space<hbm>>) target(%arg13 : memref<128x128xf32, #tpu.memory_space<vmem>>) offsets(%arg9 : memref<128xi32, #tpu.memory_space<vmem>>) semaphore(%arg15 : memref<!tpu.dma_semaphore, #tpu.memory_space<semaphore_mem>>)
      %dma_wait3A_137 = arith.constant 0 : i32
      %dma_wait3A_138 = arith.constant 0 : i32
      %dma_wait3A_139 = tpu.memref_slice %arg2[%dma_wait3A_137, %dma_wait3A_138] : memref<10240x128xf32, #tpu.memory_space<hbm>> -> memref<10240x128xf32, #tpu.memory_space<hbm>>
      tpu.wait_indirect_dma semaphore(%arg14 : memref<!tpu.dma_semaphore, #tpu.memory_space<semaphore_mem>>) src(%dma_wait3A_139 : memref<10240x128xf32, #tpu.memory_space<hbm>>) dst(%arg12 : memref<128x128xf32, #tpu.memory_space<vmem>>)
      %add3A_140 = arith.constant 2 : i32
      %add3A_141 = arith.addi %mul3A_126, %add3A_140 : i32
      %mul3A_142 = arith.constant 128 : i32
      %mul3A_143 = arith.muli %add3A_141, %mul3A_142 : i32
      %add3A_144 = arith.addi %mul3A_8, %mul3A_143 : i32
      %dma_start3A_145 = tpu.memref_slice %arg3[%add3A_144] : memref<327936xi32, #tpu.memory_space<hbm>> -> memref<128xi32, #tpu.memory_space<hbm>>
      %dma_start3A_146 = tpu.memref_slice %arg3[%add3A_144] : memref<327936xi32, #tpu.memory_space<hbm>> -> memref<128xi32, #tpu.memory_space<hbm>>
      tpu.enqueue_dma source(%dma_start3A_146 : memref<128xi32, #tpu.memory_space<hbm>>) target(%arg8 : memref<128xi32, #tpu.memory_space<vmem>>) target_semaphore(%arg16 : memref<!tpu.dma_semaphore, #tpu.memory_space<semaphore_mem>>)
      %mul3A_147 = arith.constant 128 : i32
      %mul3A_148 = arith.muli %mul3A_126, %mul3A_147 : i32
      %add3A_149 = arith.addi %mul3A_8, %mul3A_148 : i32
      %dma_wait3A_150 = tpu.memref_slice %arg4[%add3A_149] : memref<327936xi32, #tpu.memory_space<hbm>> -> memref<128xi32, #tpu.memory_space<hbm>>
      %dma_wait3A_151 = tpu.memref_slice %arg4[%add3A_149] : memref<327936xi32, #tpu.memory_space<hbm>> -> memref<128xi32, #tpu.memory_space<hbm>>
      tpu.wait_dma2 semaphore(%arg18 : memref<!tpu.dma_semaphore, #tpu.memory_space<semaphore_mem>>) src(%dma_wait3A_151 : memref<128xi32, #tpu.memory_space<hbm>>) dst(%arg10 : memref<128xi32, #tpu.memory_space<vmem>>)
      "tpu.region"() ({
        %run_scoped3A = tpu.sem_alloc : memref<!tpu.dma_semaphore, #tpu.memory_space<semaphore_mem>>
        %dma_start3A_194 = arith.constant 0 : i32
        %dma_start3A_195 = arith.constant 0 : i32
        %dma_start3A_196 = tpu.memref_slice %arg7[%dma_start3A_194, %dma_start3A_195] : memref<10240x128xf32, #tpu.memory_space<vmem_shared>> -> memref<10240x128xf32, #tpu.memory_space<vmem_shared>>
        tpu.enqueue_indirect_dma source(%arg12 : memref<128x128xf32, #tpu.memory_space<vmem>>) target(%dma_start3A_196 : memref<10240x128xf32, #tpu.memory_space<vmem_shared>>) offsets(%arg10 : memref<128xi32, #tpu.memory_space<vmem>>) semaphore(%run_scoped3A : memref<!tpu.dma_semaphore, #tpu.memory_space<semaphore_mem>>) {add = true}
        %dma_wait3A_197 = arith.constant 0 : i32
        %dma_wait3A_198 = arith.constant 0 : i32
        %dma_wait3A_199 = tpu.memref_slice %arg7[%dma_wait3A_197, %dma_wait3A_198] : memref<10240x128xf32, #tpu.memory_space<vmem_shared>> -> memref<10240x128xf32, #tpu.memory_space<vmem_shared>>
        tpu.wait_indirect_dma semaphore(%run_scoped3A : memref<!tpu.dma_semaphore, #tpu.memory_space<semaphore_mem>>) src(%arg12 : memref<128x128xf32, #tpu.memory_space<vmem>>) dst(%dma_wait3A_199 : memref<10240x128xf32, #tpu.memory_space<vmem_shared>>)
        tpu.yield
      }) : () -> ()
      "tpu.region"() ({
        %run_scoped3A = tpu.sem_alloc : memref<!tpu.dma_semaphore, #tpu.memory_space<semaphore_mem>>
        %dma_start3A_194 = arith.constant 0 : i32
        %dma_start3A_195 = tpu.memref_slice %arg20[%dma_start3A_194] : memref<10240xf32, #tpu.memory_space<vmem_shared>> -> memref<10240xf32, #tpu.memory_space<vmem_shared>>
        tpu.enqueue_indirect_dma source(%arg21 : memref<128xf32, #tpu.memory_space<vmem>>) target(%dma_start3A_195 : memref<10240xf32, #tpu.memory_space<vmem_shared>>) offsets(%arg10 : memref<128xi32, #tpu.memory_space<vmem>>) semaphore(%run_scoped3A : memref<!tpu.dma_semaphore, #tpu.memory_space<semaphore_mem>>) {add = true}
        %dma_wait3A_196 = arith.constant 0 : i32
        %dma_wait3A_197 = tpu.memref_slice %arg20[%dma_wait3A_196] : memref<10240xf32, #tpu.memory_space<vmem_shared>> -> memref<10240xf32, #tpu.memory_space<vmem_shared>>
        tpu.wait_indirect_dma semaphore(%run_scoped3A : memref<!tpu.dma_semaphore, #tpu.memory_space<semaphore_mem>>) src(%arg21 : memref<128xf32, #tpu.memory_space<vmem>>) dst(%dma_wait3A_197 : memref<10240xf32, #tpu.memory_space<vmem_shared>>)
        tpu.yield
      }) : () -> ()
      %add3A_152 = arith.constant 2 : i32
      %add3A_153 = arith.addi %mul3A_126, %add3A_152 : i32
      %mul3A_154 = arith.constant 128 : i32
      %mul3A_155 = arith.muli %add3A_153, %mul3A_154 : i32
      %add3A_156 = arith.addi %mul3A_8, %mul3A_155 : i32
      %dma_start3A_157 = tpu.memref_slice %arg4[%add3A_156] : memref<327936xi32, #tpu.memory_space<hbm>> -> memref<128xi32, #tpu.memory_space<hbm>>
      %dma_start3A_158 = tpu.memref_slice %arg4[%add3A_156] : memref<327936xi32, #tpu.memory_space<hbm>> -> memref<128xi32, #tpu.memory_space<hbm>>
      tpu.enqueue_dma source(%dma_start3A_158 : memref<128xi32, #tpu.memory_space<hbm>>) target(%arg10 : memref<128xi32, #tpu.memory_space<vmem>>) target_semaphore(%arg18 : memref<!tpu.dma_semaphore, #tpu.memory_space<semaphore_mem>>)
      %add3A_159 = arith.constant 2 : i32
      %add3A_160 = arith.addi %mul3A_126, %add3A_159 : i32
      %mul3A_161 = arith.constant 128 : i32
      %mul3A_162 = arith.muli %add3A_160, %mul3A_161 : i32
      %add3A_163 = arith.addi %mul3A_8, %mul3A_162 : i32
      %dma_wait3A_164 = tpu.memref_slice %arg3[%add3A_163] : memref<327936xi32, #tpu.memory_space<hbm>> -> memref<128xi32, #tpu.memory_space<hbm>>
      %dma_wait3A_165 = tpu.memref_slice %arg3[%add3A_163] : memref<327936xi32, #tpu.memory_space<hbm>> -> memref<128xi32, #tpu.memory_space<hbm>>
      tpu.wait_dma2 semaphore(%arg16 : memref<!tpu.dma_semaphore, #tpu.memory_space<semaphore_mem>>) src(%dma_wait3A_165 : memref<128xi32, #tpu.memory_space<hbm>>) dst(%arg8 : memref<128xi32, #tpu.memory_space<vmem>>)
      %dma_start3A_166 = arith.constant 0 : i32
      %dma_start3A_167 = arith.constant 0 : i32
      %dma_start3A_168 = tpu.memref_slice %arg2[%dma_start3A_166, %dma_start3A_167] : memref<10240x128xf32, #tpu.memory_space<hbm>> -> memref<10240x128xf32, #tpu.memory_space<hbm>>
      tpu.enqueue_indirect_dma source(%dma_start3A_168 : memref<10240x128xf32, #tpu.memory_space<hbm>>) target(%arg12 : memref<128x128xf32, #tpu.memory_space<vmem>>) offsets(%arg8 : memref<128xi32, #tpu.memory_space<vmem>>) semaphore(%arg14 : memref<!tpu.dma_semaphore, #tpu.memory_space<semaphore_mem>>)
      %dma_wait3A_169 = arith.constant 0 : i32
      %dma_wait3A_170 = arith.constant 0 : i32
      %dma_wait3A_171 = tpu.memref_slice %arg2[%dma_wait3A_169, %dma_wait3A_170] : memref<10240x128xf32, #tpu.memory_space<hbm>> -> memref<10240x128xf32, #tpu.memory_space<hbm>>
      tpu.wait_indirect_dma semaphore(%arg15 : memref<!tpu.dma_semaphore, #tpu.memory_space<semaphore_mem>>) src(%dma_wait3A_171 : memref<10240x128xf32, #tpu.memory_space<hbm>>) dst(%arg13 : memref<128x128xf32, #tpu.memory_space<vmem>>)
      %add3A_172 = arith.constant 3 : i32
      %add3A_173 = arith.addi %mul3A_126, %add3A_172 : i32
      %mul3A_174 = arith.constant 128 : i32
      %mul3A_175 = arith.muli %add3A_173, %mul3A_174 : i32
      %add3A_176 = arith.addi %mul3A_8, %mul3A_175 : i32
      %dma_start3A_177 = tpu.memref_slice %arg3[%add3A_176] : memref<327936xi32, #tpu.memory_space<hbm>> -> memref<128xi32, #tpu.memory_space<hbm>>
      %dma_start3A_178 = tpu.memref_slice %arg3[%add3A_176] : memref<327936xi32, #tpu.memory_space<hbm>> -> memref<128xi32, #tpu.memory_space<hbm>>
      tpu.enqueue_dma source(%dma_start3A_178 : memref<128xi32, #tpu.memory_space<hbm>>) target(%arg9 : memref<128xi32, #tpu.memory_space<vmem>>) target_semaphore(%arg17 : memref<!tpu.dma_semaphore, #tpu.memory_space<semaphore_mem>>)
      %add3A_179 = arith.constant 1 : i32
      %add3A_180 = arith.addi %mul3A_126, %add3A_179 : i32
      %mul3A_181 = arith.constant 128 : i32
      %mul3A_182 = arith.muli %add3A_180, %mul3A_181 : i32
      %add3A_183 = arith.addi %mul3A_8, %mul3A_182 : i32
      %dma_wait3A_184 = tpu.memref_slice %arg4[%add3A_183] : memref<327936xi32, #tpu.memory_space<hbm>> -> memref<128xi32, #tpu.memory_space<hbm>>
      %dma_wait3A_185 = tpu.memref_slice %arg4[%add3A_183] : memref<327936xi32, #tpu.memory_space<hbm>> -> memref<128xi32, #tpu.memory_space<hbm>>
      tpu.wait_dma2 semaphore(%arg19 : memref<!tpu.dma_semaphore, #tpu.memory_space<semaphore_mem>>) src(%dma_wait3A_185 : memref<128xi32, #tpu.memory_space<hbm>>) dst(%arg11 : memref<128xi32, #tpu.memory_space<vmem>>)
      "tpu.region"() ({
        %run_scoped3A = tpu.sem_alloc : memref<!tpu.dma_semaphore, #tpu.memory_space<semaphore_mem>>
        %dma_start3A_194 = arith.constant 0 : i32
        %dma_start3A_195 = arith.constant 0 : i32
        %dma_start3A_196 = tpu.memref_slice %arg7[%dma_start3A_194, %dma_start3A_195] : memref<10240x128xf32, #tpu.memory_space<vmem_shared>> -> memref<10240x128xf32, #tpu.memory_space<vmem_shared>>
        tpu.enqueue_indirect_dma source(%arg13 : memref<128x128xf32, #tpu.memory_space<vmem>>) target(%dma_start3A_196 : memref<10240x128xf32, #tpu.memory_space<vmem_shared>>) offsets(%arg11 : memref<128xi32, #tpu.memory_space<vmem>>) semaphore(%run_scoped3A : memref<!tpu.dma_semaphore, #tpu.memory_space<semaphore_mem>>) {add = true}
        %dma_wait3A_197 = arith.constant 0 : i32
        %dma_wait3A_198 = arith.constant 0 : i32
        %dma_wait3A_199 = tpu.memref_slice %arg7[%dma_wait3A_197, %dma_wait3A_198] : memref<10240x128xf32, #tpu.memory_space<vmem_shared>> -> memref<10240x128xf32, #tpu.memory_space<vmem_shared>>
        tpu.wait_indirect_dma semaphore(%run_scoped3A : memref<!tpu.dma_semaphore, #tpu.memory_space<semaphore_mem>>) src(%arg13 : memref<128x128xf32, #tpu.memory_space<vmem>>) dst(%dma_wait3A_199 : memref<10240x128xf32, #tpu.memory_space<vmem_shared>>)
        tpu.yield
      }) : () -> ()
      "tpu.region"() ({
        %run_scoped3A = tpu.sem_alloc : memref<!tpu.dma_semaphore, #tpu.memory_space<semaphore_mem>>
        %dma_start3A_194 = arith.constant 0 : i32
        %dma_start3A_195 = tpu.memref_slice %arg20[%dma_start3A_194] : memref<10240xf32, #tpu.memory_space<vmem_shared>> -> memref<10240xf32, #tpu.memory_space<vmem_shared>>
        tpu.enqueue_indirect_dma source(%arg21 : memref<128xf32, #tpu.memory_space<vmem>>) target(%dma_start3A_195 : memref<10240xf32, #tpu.memory_space<vmem_shared>>) offsets(%arg11 : memref<128xi32, #tpu.memory_space<vmem>>) semaphore(%run_scoped3A : memref<!tpu.dma_semaphore, #tpu.memory_space<semaphore_mem>>) {add = true}
        %dma_wait3A_196 = arith.constant 0 : i32
        %dma_wait3A_197 = tpu.memref_slice %arg20[%dma_wait3A_196] : memref<10240xf32, #tpu.memory_space<vmem_shared>> -> memref<10240xf32, #tpu.memory_space<vmem_shared>>
        tpu.wait_indirect_dma semaphore(%run_scoped3A : memref<!tpu.dma_semaphore, #tpu.memory_space<semaphore_mem>>) src(%arg21 : memref<128xf32, #tpu.memory_space<vmem>>) dst(%dma_wait3A_197 : memref<10240xf32, #tpu.memory_space<vmem_shared>>)
        tpu.yield
      }) : () -> ()
      %add3A_186 = arith.constant 3 : i32
      %add3A_187 = arith.addi %mul3A_126, %add3A_186 : i32
      %mul3A_188 = arith.constant 128 : i32
      %mul3A_189 = arith.muli %add3A_187, %mul3A_188 : i32
      %add3A_190 = arith.addi %mul3A_8, %mul3A_189 : i32
      %dma_start3A_191 = tpu.memref_slice %arg4[%add3A_190] : memref<327936xi32, #tpu.memory_space<hbm>> -> memref<128xi32, #tpu.memory_space<hbm>>
      %dma_start3A_192 = tpu.memref_slice %arg4[%add3A_190] : memref<327936xi32, #tpu.memory_space<hbm>> -> memref<128xi32, #tpu.memory_space<hbm>>
      tpu.enqueue_dma source(%dma_start3A_192 : memref<128xi32, #tpu.memory_space<hbm>>) target(%arg11 : memref<128xi32, #tpu.memory_space<vmem>>) target_semaphore(%arg19 : memref<!tpu.dma_semaphore, #tpu.memory_space<semaphore_mem>>)
      %while3A_193 = arith.constant 0 : i32
      scf.yield %while3A_193 : i32
    }
    %dma_wait3A_86 = arith.constant 0 : i32
    %dma_wait3A_87 = arith.constant 0 : i32
    %dma_wait3A_88 = tpu.memref_slice %arg2[%dma_wait3A_86, %dma_wait3A_87] : memref<10240x128xf32, #tpu.memory_space<hbm>> -> memref<10240x128xf32, #tpu.memory_space<hbm>>
    tpu.wait_indirect_dma semaphore(%arg14 : memref<!tpu.dma_semaphore, #tpu.memory_space<semaphore_mem>>) src(%dma_wait3A_88 : memref<10240x128xf32, #tpu.memory_space<hbm>>) dst(%arg12 : memref<128x128xf32, #tpu.memory_space<vmem>>)
    %add3A_89 = arith.constant 1 : i32
    %add3A_90 = arith.addi %select_n3A, %add3A_89 : i32
    %mul3A_91 = arith.constant 128 : i32
    %mul3A_92 = arith.muli %add3A_90, %mul3A_91 : i32
    %add3A_93 = arith.addi %mul3A_8, %mul3A_92 : i32
    %dma_wait3A_94 = tpu.memref_slice %arg3[%add3A_93] : memref<327936xi32, #tpu.memory_space<hbm>> -> memref<128xi32, #tpu.memory_space<hbm>>
    %dma_wait3A_95 = tpu.memref_slice %arg3[%add3A_93] : memref<327936xi32, #tpu.memory_space<hbm>> -> memref<128xi32, #tpu.memory_space<hbm>>
    tpu.wait_dma2 semaphore(%arg17 : memref<!tpu.dma_semaphore, #tpu.memory_space<semaphore_mem>>) src(%dma_wait3A_95 : memref<128xi32, #tpu.memory_space<hbm>>) dst(%arg9 : memref<128xi32, #tpu.memory_space<vmem>>)
    %mul3A_96 = arith.constant 128 : i32
    %mul3A_97 = arith.muli %select_n3A, %mul3A_96 : i32
    %add3A_98 = arith.addi %mul3A_8, %mul3A_97 : i32
    %dma_wait3A_99 = tpu.memref_slice %arg4[%add3A_98] : memref<327936xi32, #tpu.memory_space<hbm>> -> memref<128xi32, #tpu.memory_space<hbm>>
    %dma_wait3A_100 = tpu.memref_slice %arg4[%add3A_98] : memref<327936xi32, #tpu.memory_space<hbm>> -> memref<128xi32, #tpu.memory_space<hbm>>
    tpu.wait_dma2 semaphore(%arg18 : memref<!tpu.dma_semaphore, #tpu.memory_space<semaphore_mem>>) src(%dma_wait3A_100 : memref<128xi32, #tpu.memory_space<hbm>>) dst(%arg10 : memref<128xi32, #tpu.memory_space<vmem>>)
    %add3A_101 = arith.constant 1 : i32
    %add3A_102 = arith.addi %select_n3A, %add3A_101 : i32
    %mul3A_103 = arith.constant 128 : i32
    %mul3A_104 = arith.muli %add3A_102, %mul3A_103 : i32
    %add3A_105 = arith.addi %mul3A_8, %mul3A_104 : i32
    %dma_wait3A_106 = tpu.memref_slice %arg4[%add3A_105] : memref<327936xi32, #tpu.memory_space<hbm>> -> memref<128xi32, #tpu.memory_space<hbm>>
    %dma_wait3A_107 = tpu.memref_slice %arg4[%add3A_105] : memref<327936xi32, #tpu.memory_space<hbm>> -> memref<128xi32, #tpu.memory_space<hbm>>
    tpu.wait_dma2 semaphore(%arg19 : memref<!tpu.dma_semaphore, #tpu.memory_space<semaphore_mem>>) src(%dma_wait3A_107 : memref<128xi32, #tpu.memory_space<hbm>>) dst(%arg11 : memref<128xi32, #tpu.memory_space<vmem>>)
    %barrier3A_108 = arith.constant 0 : index
    tpu.barrier barrier_id(%barrier3A_108)
    %scan3A_109 = arith.constant 0 : i32
    %scan3A_110 = arith.constant 0 : i32
    %scan3A_111 = arith.constant 5 : i32
    %scan3A_112 = arith.addi %scan3A_110, %scan3A_111 : i32
    %scan3A_113 = arith.constant 1 : i32
    %scan3A_114 = scf.for %scan3A_123 = %scan3A_110 to %scan3A_112 step %scan3A_113 iter_args(%scan3A_124 = %scan3A_109) -> (i32)  : i32 {
      %mul3A_125 = arith.constant 640 : i32
      %mul3A_126 = arith.muli %arg1, %mul3A_125 : i32
      %mul3A_127 = arith.constant 128 : i32
      %mul3A_128 = arith.muli %scan3A_123, %mul3A_127 : i32
      %add3A_129 = arith.addi %mul3A_126, %mul3A_128 : i32
      %mul3A_130 = arith.constant 10240 : i32
      %mul3A_131 = arith.muli %arg0, %mul3A_130 : i32
      %add3A_132 = arith.addi %mul3A_131, %add3A_129 : i32
      "tpu.region"() ({
        %run_scoped3A = tpu.sem_alloc : memref<!tpu.dma_semaphore, #tpu.memory_space<semaphore_mem>>
        %dma_start3A_134 = arith.constant 0 : i32
        %dma_start3A_135 = tpu.memref_slice %arg5[%add3A_132, %dma_start3A_134] : memref<20480x128xf32, #tpu.memory_space<hbm>> -> memref<128x128xf32, #tpu.memory_space<hbm>>
        %dma_start3A_136 = arith.constant 0 : i32
        %dma_start3A_137 = tpu.memref_slice %arg7[%add3A_129, %dma_start3A_136] : memref<10240x128xf32, #tpu.memory_space<vmem_shared>> -> memref<128x128xf32, #tpu.memory_space<vmem_shared>>
        tpu.enqueue_dma source(%dma_start3A_137 : memref<128x128xf32, #tpu.memory_space<vmem_shared>>) target(%dma_start3A_135 : memref<128x128xf32, #tpu.memory_space<hbm>>) target_semaphore(%run_scoped3A : memref<!tpu.dma_semaphore, #tpu.memory_space<semaphore_mem>>)
        %dma_wait3A_138 = arith.constant 0 : i32
        %dma_wait3A_139 = tpu.memref_slice %arg5[%add3A_132, %dma_wait3A_138] : memref<20480x128xf32, #tpu.memory_space<hbm>> -> memref<128x128xf32, #tpu.memory_space<hbm>>
        %dma_wait3A_140 = arith.constant 0 : i32
        %dma_wait3A_141 = tpu.memref_slice %arg7[%add3A_129, %dma_wait3A_140] : memref<10240x128xf32, #tpu.memory_space<vmem_shared>> -> memref<128x128xf32, #tpu.memory_space<vmem_shared>>
        tpu.wait_dma2 semaphore(%run_scoped3A : memref<!tpu.dma_semaphore, #tpu.memory_space<semaphore_mem>>) src(%dma_wait3A_141 : memref<128x128xf32, #tpu.memory_space<vmem_shared>>) dst(%dma_wait3A_139 : memref<128x128xf32, #tpu.memory_space<hbm>>)
        tpu.yield
      }) : () -> ()
      %scan3A_133 = arith.constant 0 : i32
      scf.yield %scan3A_133 : i32
    }
    %scan3A_115 = arith.constant 5 : i32
    %mul3A_116 = arith.constant 640 : i32
    %mul3A_117 = arith.muli %arg1, %mul3A_116 : i32
    %mul3A_118 = arith.constant 10240 : i32
    %mul3A_119 = arith.muli %arg0, %mul3A_118 : i32
    %mul3A_120 = arith.constant 640 : i32
    %mul3A_121 = arith.muli %arg1, %mul3A_120 : i32
    %add3A_122 = arith.addi %mul3A_119, %mul3A_121 : i32
    "tpu.region"() ({
      %run_scoped3A = tpu.sem_alloc : memref<!tpu.dma_semaphore, #tpu.memory_space<semaphore_mem>>
      %dma_start3A_123 = tpu.memref_slice %arg6[%add3A_122] : memref<20480xf32, #tpu.memory_space<hbm>> -> memref<640xf32, #tpu.memory_space<hbm>>
      %dma_start3A_124 = tpu.memref_slice %arg20[%mul3A_117] : memref<10240xf32, #tpu.memory_space<vmem_shared>> -> memref<640xf32, #tpu.memory_space<vmem_shared>>
      tpu.enqueue_dma source(%dma_start3A_124 : memref<640xf32, #tpu.memory_space<vmem_shared>>) target(%dma_start3A_123 : memref<640xf32, #tpu.memory_space<hbm>>) target_semaphore(%run_scoped3A : memref<!tpu.dma_semaphore, #tpu.memory_space<semaphore_mem>>)
      %dma_wait3A_125 = tpu.memref_slice %arg6[%add3A_122] : memref<20480xf32, #tpu.memory_space<hbm>> -> memref<640xf32, #tpu.memory_space<hbm>>
      %dma_wait3A_126 = tpu.memref_slice %arg20[%mul3A_117] : memref<10240xf32, #tpu.memory_space<vmem_shared>> -> memref<640xf32, #tpu.memory_space<vmem_shared>>
      tpu.wait_dma2 semaphore(%run_scoped3A : memref<!tpu.dma_semaphore, #tpu.memory_space<semaphore_mem>>) src(%dma_wait3A_126 : memref<640xf32, #tpu.memory_space<vmem_shared>>) dst(%dma_wait3A_125 : memref<640xf32, #tpu.memory_space<hbm>>)
      tpu.yield
    }) : () -> ()
    return
  }
}

#map = affine_map<(d0, d1) -> (0, 0)>
#map1 = affine_map<(d0, d1) -> (0)>
module attributes {stable_mosaic.version = 14 : i64} {
  func.func @k(%arg0: i32, %arg1: i32, %arg2: memref<10240x128xf32, #tpu.memory_space<hbm>>, %arg3: memref<327936xi32, #tpu.memory_space<hbm>>, %arg4: memref<327936xi32, #tpu.memory_space<hbm>>, %arg5: memref<20480x128xf32, #tpu.memory_space<hbm>>, %arg6: memref<10240x128xf32, #tpu.memory_space<vmem_shared>>, %arg7: memref<128xi32, #tpu.memory_space<vmem>>, %arg8: memref<128xi32, #tpu.memory_space<vmem>>, %arg9: memref<128xi32, #tpu.memory_space<vmem>>, %arg10: memref<128xi32, #tpu.memory_space<vmem>>, %arg11: memref<128x128xf32, #tpu.memory_space<vmem>>, %arg12: memref<128x128xf32, #tpu.memory_space<vmem>>, %arg13: memref<!tpu.dma_semaphore, #tpu.memory_space<semaphore_mem>>, %arg14: memref<!tpu.dma_semaphore, #tpu.memory_space<semaphore_mem>>, %arg15: memref<!tpu.dma_semaphore, #tpu.memory_space<semaphore_mem>>, %arg16: memref<!tpu.dma_semaphore, #tpu.memory_space<semaphore_mem>>, %arg17: memref<!tpu.dma_semaphore, #tpu.memory_space<semaphore_mem>>, %arg18: memref<!tpu.dma_semaphore, #tpu.memory_space<semaphore_mem>>) attributes {dimension_semantics = [#tpu.dimension_semantics<core_parallel>, #tpu.dimension_semantics<subcore_parallel>], iteration_bounds = array<i64: 2, 16>, scalar_prefetch = 0 : i64, scratch_operands = 13 : i64, tpu.core_type = #tpu.core_type<sc_vector_subcore>, window_params = [{transform_indices = #map}, {transform_indices = #map1}, {transform_indices = #map1}, {transform_indices = #map}]} {
    %eq3A = arith.constant 1 : i32
    %eq3A_0 = arith.cmpi eq, %arg0, %eq3A : i32
    %jit3A = arith.constant 122 : i32
    %jit3A_1 = arith.constant 38 : i32
    %select_n3A = arith.select %eq3A_0, %jit3A, %jit3A_1 : i32
    %mul3A = arith.constant 122 : i32
    %mul3A_2 = arith.muli %arg1, %mul3A : i32
    %mul3A_3 = arith.constant 38 : i32
    %mul3A_4 = arith.muli %arg1, %mul3A_3 : i32
    %add3A = arith.constant 1952 : i32
    %add3A_5 = arith.addi %add3A, %mul3A_4 : i32
    %select_n3A_6 = arith.select %eq3A_0, %mul3A_2, %add3A_5 : i32
    %mul3A_7 = arith.constant 128 : i32
    %mul3A_8 = arith.muli %select_n3A_6, %mul3A_7 : i32
    %scan3A = arith.constant 0 : i32
    %scan3A_9 = arith.constant 0 : i32
    %scan3A_10 = arith.constant 128 : i32
    %scan3A_11 = arith.addi %scan3A_9, %scan3A_10 : i32
    %scan3A_12 = arith.constant 1 : i32
    %scan3A_13 = scf.for %scan3A_102 = %scan3A_9 to %scan3A_11 step %scan3A_12 iter_args(%scan3A_103 = %scan3A) -> (i32)  : i32 {
      %scan3A_104 = arith.constant 0 : i32
      %scan3A_105 = arith.constant 0 : i32
      %scan3A_106 = arith.constant 8 : i32
      %scan3A_107 = arith.addi %scan3A_105, %scan3A_106 : i32
      %scan3A_108 = arith.constant 1 : i32
      %scan3A_109 = scf.for %scan3A_111 = %scan3A_105 to %scan3A_107 step %scan3A_108 iter_args(%scan3A_112 = %scan3A_104) -> (i32)  : i32 {
        %broadcast_in_dim3A = arith.constant 0.000000e+00 : f32
        %broadcast_in_dim3A_113 = vector.broadcast %broadcast_in_dim3A : f32 to vector<16xf32>
        %mul3A_114 = arith.constant 16 : i32
        %mul3A_115 = arith.muli %scan3A_111, %mul3A_114 : i32
        %swap3A = arith.index_cast %scan3A_102 : i32 to index
        %swap3A_116 = arith.index_cast %mul3A_115 : i32 to index
        %swap3A_117 = tpu.vector_load %arg11[%swap3A, %swap3A_116] {strides = array<i32>} : memref<128x128xf32, #tpu.memory_space<vmem>>, vector<1x16xf32>,
        %swap3A_118 = vector.shape_cast %swap3A_117 : vector<1x16xf32> to vector<16xf32>
        %swap3A_119 = vector.shape_cast %broadcast_in_dim3A_113 : vector<16xf32> to vector<1x16xf32>
        tpu.vector_store %arg11[%swap3A, %swap3A_116], %swap3A_119 {strides = array<i32>} : memref<128x128xf32, #tpu.memory_space<vmem>>, vector<1x16xf32>,
        %scan3A_120 = arith.constant 0 : i32
        scf.yield %scan3A_120 : i32
      }
      %scan3A_110 = arith.constant 8 : i32
      scf.yield %scan3A_109 : i32
    }
    %scan3A_14 = arith.constant 128 : i32
    %scan3A_15 = arith.constant 0 : i32
    %scan3A_16 = arith.constant 0 : i32
    %scan3A_17 = arith.constant 5 : i32
    %scan3A_18 = arith.addi %scan3A_16, %scan3A_17 : i32
    %scan3A_19 = arith.constant 1 : i32
    %scan3A_20 = scf.for %scan3A_102 = %scan3A_16 to %scan3A_18 step %scan3A_19 iter_args(%scan3A_103 = %scan3A_15) -> (i32)  : i32 {
      %mul3A_104 = arith.constant 640 : i32
      %mul3A_105 = arith.muli %arg1, %mul3A_104 : i32
      %mul3A_106 = arith.constant 128 : i32
      %mul3A_107 = arith.muli %scan3A_102, %mul3A_106 : i32
      %add3A_108 = arith.addi %mul3A_105, %mul3A_107 : i32
      "tpu.region"() ({
        %run_scoped3A = tpu.sem_alloc : memref<!tpu.dma_semaphore, #tpu.memory_space<semaphore_mem>>
        %dma_start3A_110 = arith.constant 0 : i32
        %dma_start3A_111 = tpu.memref_slice %arg6[%add3A_108, %dma_start3A_110] : memref<10240x128xf32, #tpu.memory_space<vmem_shared>> -> memref<128x128xf32, #tpu.memory_space<vmem_shared>>
        %dma_start3A_112 = arith.constant 0 : i32
        %dma_start3A_113 = tpu.memref_slice %arg6[%add3A_108, %dma_start3A_112] : memref<10240x128xf32, #tpu.memory_space<vmem_shared>> -> memref<128x128xf32, #tpu.memory_space<vmem_shared>>
        tpu.enqueue_dma source(%arg11 : memref<128x128xf32, #tpu.memory_space<vmem>>) target(%dma_start3A_113 : memref<128x128xf32, #tpu.memory_space<vmem_shared>>) target_semaphore(%run_scoped3A : memref<!tpu.dma_semaphore, #tpu.memory_space<semaphore_mem>>)
        %dma_wait3A_114 = arith.constant 0 : i32
        %dma_wait3A_115 = tpu.memref_slice %arg6[%add3A_108, %dma_wait3A_114] : memref<10240x128xf32, #tpu.memory_space<vmem_shared>> -> memref<128x128xf32, #tpu.memory_space<vmem_shared>>
        %dma_wait3A_116 = arith.constant 0 : i32
        %dma_wait3A_117 = tpu.memref_slice %arg6[%add3A_108, %dma_wait3A_116] : memref<10240x128xf32, #tpu.memory_space<vmem_shared>> -> memref<128x128xf32, #tpu.memory_space<vmem_shared>>
        tpu.wait_dma2 semaphore(%run_scoped3A : memref<!tpu.dma_semaphore, #tpu.memory_space<semaphore_mem>>) src(%arg11 : memref<128x128xf32, #tpu.memory_space<vmem>>) dst(%dma_wait3A_117 : memref<128x128xf32, #tpu.memory_space<vmem_shared>>)
        tpu.yield
      }) : () -> ()
      %scan3A_109 = arith.constant 0 : i32
      scf.yield %scan3A_109 : i32
    }
    %scan3A_21 = arith.constant 5 : i32
    %barrier3A = arith.constant 0 : index
    tpu.barrier barrier_id(%barrier3A)
    %add3A_22 = arith.constant 0 : i32
    %add3A_23 = arith.addi %mul3A_8, %add3A_22 : i32
    %dma_start3A = tpu.memref_slice %arg3[%add3A_23] : memref<327936xi32, #tpu.memory_space<hbm>> -> memref<128xi32, #tpu.memory_space<hbm>>
    %dma_start3A_24 = tpu.memref_slice %arg3[%add3A_23] : memref<327936xi32, #tpu.memory_space<hbm>> -> memref<128xi32, #tpu.memory_space<hbm>>
    tpu.enqueue_dma source(%dma_start3A_24 : memref<128xi32, #tpu.memory_space<hbm>>) target(%arg7 : memref<128xi32, #tpu.memory_space<vmem>>) target_semaphore(%arg15 : memref<!tpu.dma_semaphore, #tpu.memory_space<semaphore_mem>>)
    %add3A_25 = arith.constant 0 : i32
    %add3A_26 = arith.addi %mul3A_8, %add3A_25 : i32
    %dma_start3A_27 = tpu.memref_slice %arg4[%add3A_26] : memref<327936xi32, #tpu.memory_space<hbm>> -> memref<128xi32, #tpu.memory_space<hbm>>
    %dma_start3A_28 = tpu.memref_slice %arg4[%add3A_26] : memref<327936xi32, #tpu.memory_space<hbm>> -> memref<128xi32, #tpu.memory_space<hbm>>
    tpu.enqueue_dma source(%dma_start3A_28 : memref<128xi32, #tpu.memory_space<hbm>>) target(%arg9 : memref<128xi32, #tpu.memory_space<vmem>>) target_semaphore(%arg17 : memref<!tpu.dma_semaphore, #tpu.memory_space<semaphore_mem>>)
    %add3A_29 = arith.constant 128 : i32
    %add3A_30 = arith.addi %mul3A_8, %add3A_29 : i32
    %dma_start3A_31 = tpu.memref_slice %arg3[%add3A_30] : memref<327936xi32, #tpu.memory_space<hbm>> -> memref<128xi32, #tpu.memory_space<hbm>>
    %dma_start3A_32 = tpu.memref_slice %arg3[%add3A_30] : memref<327936xi32, #tpu.memory_space<hbm>> -> memref<128xi32, #tpu.memory_space<hbm>>
    tpu.enqueue_dma source(%dma_start3A_32 : memref<128xi32, #tpu.memory_space<hbm>>) target(%arg8 : memref<128xi32, #tpu.memory_space<vmem>>) target_semaphore(%arg16 : memref<!tpu.dma_semaphore, #tpu.memory_space<semaphore_mem>>)
    %add3A_33 = arith.constant 128 : i32
    %add3A_34 = arith.addi %mul3A_8, %add3A_33 : i32
    %dma_start3A_35 = tpu.memref_slice %arg4[%add3A_34] : memref<327936xi32, #tpu.memory_space<hbm>> -> memref<128xi32, #tpu.memory_space<hbm>>
    %dma_start3A_36 = tpu.memref_slice %arg4[%add3A_34] : memref<327936xi32, #tpu.memory_space<hbm>> -> memref<128xi32, #tpu.memory_space<hbm>>
    tpu.enqueue_dma source(%dma_start3A_36 : memref<128xi32, #tpu.memory_space<hbm>>) target(%arg10 : memref<128xi32, #tpu.memory_space<vmem>>) target_semaphore(%arg18 : memref<!tpu.dma_semaphore, #tpu.memory_space<semaphore_mem>>)
    %add3A_37 = arith.constant 0 : i32
    %add3A_38 = arith.addi %mul3A_8, %add3A_37 : i32
    %dma_wait3A = tpu.memref_slice %arg3[%add3A_38] : memref<327936xi32, #tpu.memory_space<hbm>> -> memref<128xi32, #tpu.memory_space<hbm>>
    %dma_wait3A_39 = tpu.memref_slice %arg3[%add3A_38] : memref<327936xi32, #tpu.memory_space<hbm>> -> memref<128xi32, #tpu.memory_space<hbm>>
    tpu.wait_dma2 semaphore(%arg15 : memref<!tpu.dma_semaphore, #tpu.memory_space<semaphore_mem>>) src(%dma_wait3A_39 : memref<128xi32, #tpu.memory_space<hbm>>) dst(%arg7 : memref<128xi32, #tpu.memory_space<vmem>>)
    %dma_start3A_40 = arith.constant 0 : i32
    %dma_start3A_41 = arith.constant 0 : i32
    %dma_start3A_42 = tpu.memref_slice %arg2[%dma_start3A_40, %dma_start3A_41] : memref<10240x128xf32, #tpu.memory_space<hbm>> -> memref<10240x128xf32, #tpu.memory_space<hbm>>
    tpu.enqueue_indirect_dma source(%dma_start3A_42 : memref<10240x128xf32, #tpu.memory_space<hbm>>) target(%arg11 : memref<128x128xf32, #tpu.memory_space<vmem>>) offsets(%arg7 : memref<128xi32, #tpu.memory_space<vmem>>) semaphore(%arg13 : memref<!tpu.dma_semaphore, #tpu.memory_space<semaphore_mem>>)
    %jit3A_43 = arith.constant 2 : i32
    %div3A = arith.divsi %select_n3A, %jit3A_43 : i32
    %sign3A = arith.constant 0 : i32
    %sign3A_44 = arith.cmpi sgt, %select_n3A, %sign3A : i32
    %sign3A_45 = arith.extui %sign3A_44 : i1 to i32
    %sign3A_46 = arith.constant 0 : i32
    %sign3A_47 = arith.cmpi slt, %select_n3A, %sign3A_46 : i32
    %sign3A_48 = arith.extui %sign3A_47 : i1 to i32
    %sign3A_49 = arith.subi %sign3A_45, %sign3A_48 : i32
    %sign3A_50 = arith.constant 0 : i32
    %sign3A_51 = arith.cmpi sgt, %jit3A_43, %sign3A_50 : i32
    %sign3A_52 = arith.extui %sign3A_51 : i1 to i32
    %sign3A_53 = arith.constant 0 : i32
    %sign3A_54 = arith.cmpi slt, %jit3A_43, %sign3A_53 : i32
    %sign3A_55 = arith.extui %sign3A_54 : i1 to i32
    %sign3A_56 = arith.subi %sign3A_52, %sign3A_55 : i32
    %ne3A = arith.cmpi ne, %sign3A_49, %sign3A_56 : i32
    %rem3A = arith.remsi %select_n3A, %jit3A_43 : i32
    %ne3A_57 = arith.constant 0 : i32
    %ne3A_58 = arith.cmpi ne, %rem3A, %ne3A_57 : i32
    %and3A = arith.andi %ne3A, %ne3A_58 : i1
    %sub3A = arith.constant 1 : i32
    %sub3A_59 = arith.subi %div3A, %sub3A : i32
    %select_n3A_60 = arith.select %and3A, %sub3A_59, %div3A : i32
    %while3A = arith.constant 0 : i32
    %while3A_61 = arith.constant 0 : i32
    %while3A_62 = arith.subi %select_n3A_60, %while3A : i32
    %while3A_63 = arith.addi %while3A, %while3A_62 : i32
    %while3A_64 = arith.constant 1 : i32
    %while3A_65 = arith.divsi %while3A_62, %while3A_64 : i32
    %while3A_66 = arith.muli %while3A_65, %while3A_64 : i32
    %while3A_67 = arith.addi %while3A, %while3A_66 : i32
    %while3A_68 = arith.constant 1 : i32
    %while3A_69 = scf.for %while3A_102 = %while3A to %while3A_67 step %while3A_68 iter_args(%while3A_103 = %while3A_61) -> (i32)  : i32 {
      %mul3A_104 = arith.constant 2 : i32
      %mul3A_105 = arith.muli %while3A_102, %mul3A_104 : i32
      %add3A_106 = arith.constant 1 : i32
      %add3A_107 = arith.addi %mul3A_105, %add3A_106 : i32
      %mul3A_108 = arith.constant 128 : i32
      %mul3A_109 = arith.muli %add3A_107, %mul3A_108 : i32
      %add3A_110 = arith.addi %mul3A_8, %mul3A_109 : i32
      %dma_wait3A_111 = tpu.memref_slice %arg3[%add3A_110] : memref<327936xi32, #tpu.memory_space<hbm>> -> memref<128xi32, #tpu.memory_space<hbm>>
      %dma_wait3A_112 = tpu.memref_slice %arg3[%add3A_110] : memref<327936xi32, #tpu.memory_space<hbm>> -> memref<128xi32, #tpu.memory_space<hbm>>
      tpu.wait_dma2 semaphore(%arg16 : memref<!tpu.dma_semaphore, #tpu.memory_space<semaphore_mem>>) src(%dma_wait3A_112 : memref<128xi32, #tpu.memory_space<hbm>>) dst(%arg8 : memref<128xi32, #tpu.memory_space<vmem>>)
      %dma_start3A_113 = arith.constant 0 : i32
      %dma_start3A_114 = arith.constant 0 : i32
      %dma_start3A_115 = tpu.memref_slice %arg2[%dma_start3A_113, %dma_start3A_114] : memref<10240x128xf32, #tpu.memory_space<hbm>> -> memref<10240x128xf32, #tpu.memory_space<hbm>>
      tpu.enqueue_indirect_dma source(%dma_start3A_115 : memref<10240x128xf32, #tpu.memory_space<hbm>>) target(%arg12 : memref<128x128xf32, #tpu.memory_space<vmem>>) offsets(%arg8 : memref<128xi32, #tpu.memory_space<vmem>>) semaphore(%arg14 : memref<!tpu.dma_semaphore, #tpu.memory_space<semaphore_mem>>)
      %dma_wait3A_116 = arith.constant 0 : i32
      %dma_wait3A_117 = arith.constant 0 : i32
      %dma_wait3A_118 = tpu.memref_slice %arg2[%dma_wait3A_116, %dma_wait3A_117] : memref<10240x128xf32, #tpu.memory_space<hbm>> -> memref<10240x128xf32, #tpu.memory_space<hbm>>
      tpu.wait_indirect_dma semaphore(%arg13 : memref<!tpu.dma_semaphore, #tpu.memory_space<semaphore_mem>>) src(%dma_wait3A_118 : memref<10240x128xf32, #tpu.memory_space<hbm>>) dst(%arg11 : memref<128x128xf32, #tpu.memory_space<vmem>>)
      %add3A_119 = arith.constant 2 : i32
      %add3A_120 = arith.addi %mul3A_105, %add3A_119 : i32
      %mul3A_121 = arith.constant 128 : i32
      %mul3A_122 = arith.muli %add3A_120, %mul3A_121 : i32
      %add3A_123 = arith.addi %mul3A_8, %mul3A_122 : i32
      %dma_start3A_124 = tpu.memref_slice %arg3[%add3A_123] : memref<327936xi32, #tpu.memory_space<hbm>> -> memref<128xi32, #tpu.memory_space<hbm>>
      %dma_start3A_125 = tpu.memref_slice %arg3[%add3A_123] : memref<327936xi32, #tpu.memory_space<hbm>> -> memref<128xi32, #tpu.memory_space<hbm>>
      tpu.enqueue_dma source(%dma_start3A_125 : memref<128xi32, #tpu.memory_space<hbm>>) target(%arg7 : memref<128xi32, #tpu.memory_space<vmem>>) target_semaphore(%arg15 : memref<!tpu.dma_semaphore, #tpu.memory_space<semaphore_mem>>)
      %mul3A_126 = arith.constant 128 : i32
      %mul3A_127 = arith.muli %mul3A_105, %mul3A_126 : i32
      %add3A_128 = arith.addi %mul3A_8, %mul3A_127 : i32
      %dma_wait3A_129 = tpu.memref_slice %arg4[%add3A_128] : memref<327936xi32, #tpu.memory_space<hbm>> -> memref<128xi32, #tpu.memory_space<hbm>>
      %dma_wait3A_130 = tpu.memref_slice %arg4[%add3A_128] : memref<327936xi32, #tpu.memory_space<hbm>> -> memref<128xi32, #tpu.memory_space<hbm>>
      tpu.wait_dma2 semaphore(%arg17 : memref<!tpu.dma_semaphore, #tpu.memory_space<semaphore_mem>>) src(%dma_wait3A_130 : memref<128xi32, #tpu.memory_space<hbm>>) dst(%arg9 : memref<128xi32, #tpu.memory_space<vmem>>)
      "tpu.region"() ({
        %run_scoped3A = tpu.sem_alloc : memref<!tpu.dma_semaphore, #tpu.memory_space<semaphore_mem>>
        %dma_start3A_173 = arith.constant 0 : i32
        %dma_start3A_174 = arith.constant 0 : i32
        %dma_start3A_175 = tpu.memref_slice %arg6[%dma_start3A_173, %dma_start3A_174] : memref<10240x128xf32, #tpu.memory_space<vmem_shared>> -> memref<10240x128xf32, #tpu.memory_space<vmem_shared>>
        tpu.enqueue_indirect_dma source(%arg11 : memref<128x128xf32, #tpu.memory_space<vmem>>) target(%dma_start3A_175 : memref<10240x128xf32, #tpu.memory_space<vmem_shared>>) offsets(%arg9 : memref<128xi32, #tpu.memory_space<vmem>>) semaphore(%run_scoped3A : memref<!tpu.dma_semaphore, #tpu.memory_space<semaphore_mem>>) {add = true}
        %dma_wait3A_176 = arith.constant 0 : i32
        %dma_wait3A_177 = arith.constant 0 : i32
        %dma_wait3A_178 = tpu.memref_slice %arg6[%dma_wait3A_176, %dma_wait3A_177] : memref<10240x128xf32, #tpu.memory_space<vmem_shared>> -> memref<10240x128xf32, #tpu.memory_space<vmem_shared>>
        tpu.wait_indirect_dma semaphore(%run_scoped3A : memref<!tpu.dma_semaphore, #tpu.memory_space<semaphore_mem>>) src(%arg11 : memref<128x128xf32, #tpu.memory_space<vmem>>) dst(%dma_wait3A_178 : memref<10240x128xf32, #tpu.memory_space<vmem_shared>>)
        tpu.yield
      }) : () -> ()
      %add3A_131 = arith.constant 2 : i32
      %add3A_132 = arith.addi %mul3A_105, %add3A_131 : i32
      %mul3A_133 = arith.constant 128 : i32
      %mul3A_134 = arith.muli %add3A_132, %mul3A_133 : i32
      %add3A_135 = arith.addi %mul3A_8, %mul3A_134 : i32
      %dma_start3A_136 = tpu.memref_slice %arg4[%add3A_135] : memref<327936xi32, #tpu.memory_space<hbm>> -> memref<128xi32, #tpu.memory_space<hbm>>
      %dma_start3A_137 = tpu.memref_slice %arg4[%add3A_135] : memref<327936xi32, #tpu.memory_space<hbm>> -> memref<128xi32, #tpu.memory_space<hbm>>
      tpu.enqueue_dma source(%dma_start3A_137 : memref<128xi32, #tpu.memory_space<hbm>>) target(%arg9 : memref<128xi32, #tpu.memory_space<vmem>>) target_semaphore(%arg17 : memref<!tpu.dma_semaphore, #tpu.memory_space<semaphore_mem>>)
      %add3A_138 = arith.constant 2 : i32
      %add3A_139 = arith.addi %mul3A_105, %add3A_138 : i32
      %mul3A_140 = arith.constant 128 : i32
      %mul3A_141 = arith.muli %add3A_139, %mul3A_140 : i32
      %add3A_142 = arith.addi %mul3A_8, %mul3A_141 : i32
      %dma_wait3A_143 = tpu.memref_slice %arg3[%add3A_142] : memref<327936xi32, #tpu.memory_space<hbm>> -> memref<128xi32, #tpu.memory_space<hbm>>
      %dma_wait3A_144 = tpu.memref_slice %arg3[%add3A_142] : memref<327936xi32, #tpu.memory_space<hbm>> -> memref<128xi32, #tpu.memory_space<hbm>>
      tpu.wait_dma2 semaphore(%arg15 : memref<!tpu.dma_semaphore, #tpu.memory_space<semaphore_mem>>) src(%dma_wait3A_144 : memref<128xi32, #tpu.memory_space<hbm>>) dst(%arg7 : memref<128xi32, #tpu.memory_space<vmem>>)
      %dma_start3A_145 = arith.constant 0 : i32
      %dma_start3A_146 = arith.constant 0 : i32
      %dma_start3A_147 = tpu.memref_slice %arg2[%dma_start3A_145, %dma_start3A_146] : memref<10240x128xf32, #tpu.memory_space<hbm>> -> memref<10240x128xf32, #tpu.memory_space<hbm>>
      tpu.enqueue_indirect_dma source(%dma_start3A_147 : memref<10240x128xf32, #tpu.memory_space<hbm>>) target(%arg11 : memref<128x128xf32, #tpu.memory_space<vmem>>) offsets(%arg7 : memref<128xi32, #tpu.memory_space<vmem>>) semaphore(%arg13 : memref<!tpu.dma_semaphore, #tpu.memory_space<semaphore_mem>>)
      %dma_wait3A_148 = arith.constant 0 : i32
      %dma_wait3A_149 = arith.constant 0 : i32
      %dma_wait3A_150 = tpu.memref_slice %arg2[%dma_wait3A_148, %dma_wait3A_149] : memref<10240x128xf32, #tpu.memory_space<hbm>> -> memref<10240x128xf32, #tpu.memory_space<hbm>>
      tpu.wait_indirect_dma semaphore(%arg14 : memref<!tpu.dma_semaphore, #tpu.memory_space<semaphore_mem>>) src(%dma_wait3A_150 : memref<10240x128xf32, #tpu.memory_space<hbm>>) dst(%arg12 : memref<128x128xf32, #tpu.memory_space<vmem>>)
      %add3A_151 = arith.constant 3 : i32
      %add3A_152 = arith.addi %mul3A_105, %add3A_151 : i32
      %mul3A_153 = arith.constant 128 : i32
      %mul3A_154 = arith.muli %add3A_152, %mul3A_153 : i32
      %add3A_155 = arith.addi %mul3A_8, %mul3A_154 : i32
      %dma_start3A_156 = tpu.memref_slice %arg3[%add3A_155] : memref<327936xi32, #tpu.memory_space<hbm>> -> memref<128xi32, #tpu.memory_space<hbm>>
      %dma_start3A_157 = tpu.memref_slice %arg3[%add3A_155] : memref<327936xi32, #tpu.memory_space<hbm>> -> memref<128xi32, #tpu.memory_space<hbm>>
      tpu.enqueue_dma source(%dma_start3A_157 : memref<128xi32, #tpu.memory_space<hbm>>) target(%arg8 : memref<128xi32, #tpu.memory_space<vmem>>) target_semaphore(%arg16 : memref<!tpu.dma_semaphore, #tpu.memory_space<semaphore_mem>>)
      %add3A_158 = arith.constant 1 : i32
      %add3A_159 = arith.addi %mul3A_105, %add3A_158 : i32
      %mul3A_160 = arith.constant 128 : i32
      %mul3A_161 = arith.muli %add3A_159, %mul3A_160 : i32
      %add3A_162 = arith.addi %mul3A_8, %mul3A_161 : i32
      %dma_wait3A_163 = tpu.memref_slice %arg4[%add3A_162] : memref<327936xi32, #tpu.memory_space<hbm>> -> memref<128xi32, #tpu.memory_space<hbm>>
      %dma_wait3A_164 = tpu.memref_slice %arg4[%add3A_162] : memref<327936xi32, #tpu.memory_space<hbm>> -> memref<128xi32, #tpu.memory_space<hbm>>
      tpu.wait_dma2 semaphore(%arg18 : memref<!tpu.dma_semaphore, #tpu.memory_space<semaphore_mem>>) src(%dma_wait3A_164 : memref<128xi32, #tpu.memory_space<hbm>>) dst(%arg10 : memref<128xi32, #tpu.memory_space<vmem>>)
      "tpu.region"() ({
        %run_scoped3A = tpu.sem_alloc : memref<!tpu.dma_semaphore, #tpu.memory_space<semaphore_mem>>
        %dma_start3A_173 = arith.constant 0 : i32
        %dma_start3A_174 = arith.constant 0 : i32
        %dma_start3A_175 = tpu.memref_slice %arg6[%dma_start3A_173, %dma_start3A_174] : memref<10240x128xf32, #tpu.memory_space<vmem_shared>> -> memref<10240x128xf32, #tpu.memory_space<vmem_shared>>
        tpu.enqueue_indirect_dma source(%arg12 : memref<128x128xf32, #tpu.memory_space<vmem>>) target(%dma_start3A_175 : memref<10240x128xf32, #tpu.memory_space<vmem_shared>>) offsets(%arg10 : memref<128xi32, #tpu.memory_space<vmem>>) semaphore(%run_scoped3A : memref<!tpu.dma_semaphore, #tpu.memory_space<semaphore_mem>>) {add = true}
        %dma_wait3A_176 = arith.constant 0 : i32
        %dma_wait3A_177 = arith.constant 0 : i32
        %dma_wait3A_178 = tpu.memref_slice %arg6[%dma_wait3A_176, %dma_wait3A_177] : memref<10240x128xf32, #tpu.memory_space<vmem_shared>> -> memref<10240x128xf32, #tpu.memory_space<vmem_shared>>
        tpu.wait_indirect_dma semaphore(%run_scoped3A : memref<!tpu.dma_semaphore, #tpu.memory_space<semaphore_mem>>) src(%arg12 : memref<128x128xf32, #tpu.memory_space<vmem>>) dst(%dma_wait3A_178 : memref<10240x128xf32, #tpu.memory_space<vmem_shared>>)
        tpu.yield
      }) : () -> ()
      %add3A_165 = arith.constant 3 : i32
      %add3A_166 = arith.addi %mul3A_105, %add3A_165 : i32
      %mul3A_167 = arith.constant 128 : i32
      %mul3A_168 = arith.muli %add3A_166, %mul3A_167 : i32
      %add3A_169 = arith.addi %mul3A_8, %mul3A_168 : i32
      %dma_start3A_170 = tpu.memref_slice %arg4[%add3A_169] : memref<327936xi32, #tpu.memory_space<hbm>> -> memref<128xi32, #tpu.memory_space<hbm>>
      %dma_start3A_171 = tpu.memref_slice %arg4[%add3A_169] : memref<327936xi32, #tpu.memory_space<hbm>> -> memref<128xi32, #tpu.memory_space<hbm>>
      tpu.enqueue_dma source(%dma_start3A_171 : memref<128xi32, #tpu.memory_space<hbm>>) target(%arg10 : memref<128xi32, #tpu.memory_space<vmem>>) target_semaphore(%arg18 : memref<!tpu.dma_semaphore, #tpu.memory_space<semaphore_mem>>)
      %while3A_172 = arith.constant 0 : i32
      scf.yield %while3A_172 : i32
    }
    %while3A_70 = arith.constant 1 : i32
    %while3A_71 = scf.for %while3A_102 = %while3A_67 to %while3A_63 step %while3A_70 iter_args(%while3A_103 = %while3A_69) -> (i32)  : i32 {
      %mul3A_104 = arith.constant 2 : i32
      %mul3A_105 = arith.muli %while3A_102, %mul3A_104 : i32
      %add3A_106 = arith.constant 1 : i32
      %add3A_107 = arith.addi %mul3A_105, %add3A_106 : i32
      %mul3A_108 = arith.constant 128 : i32
      %mul3A_109 = arith.muli %add3A_107, %mul3A_108 : i32
      %add3A_110 = arith.addi %mul3A_8, %mul3A_109 : i32
      %dma_wait3A_111 = tpu.memref_slice %arg3[%add3A_110] : memref<327936xi32, #tpu.memory_space<hbm>> -> memref<128xi32, #tpu.memory_space<hbm>>
      %dma_wait3A_112 = tpu.memref_slice %arg3[%add3A_110] : memref<327936xi32, #tpu.memory_space<hbm>> -> memref<128xi32, #tpu.memory_space<hbm>>
      tpu.wait_dma2 semaphore(%arg16 : memref<!tpu.dma_semaphore, #tpu.memory_space<semaphore_mem>>) src(%dma_wait3A_112 : memref<128xi32, #tpu.memory_space<hbm>>) dst(%arg8 : memref<128xi32, #tpu.memory_space<vmem>>)
      %dma_start3A_113 = arith.constant 0 : i32
      %dma_start3A_114 = arith.constant 0 : i32
      %dma_start3A_115 = tpu.memref_slice %arg2[%dma_start3A_113, %dma_start3A_114] : memref<10240x128xf32, #tpu.memory_space<hbm>> -> memref<10240x128xf32, #tpu.memory_space<hbm>>
      tpu.enqueue_indirect_dma source(%dma_start3A_115 : memref<10240x128xf32, #tpu.memory_space<hbm>>) target(%arg12 : memref<128x128xf32, #tpu.memory_space<vmem>>) offsets(%arg8 : memref<128xi32, #tpu.memory_space<vmem>>) semaphore(%arg14 : memref<!tpu.dma_semaphore, #tpu.memory_space<semaphore_mem>>)
      %dma_wait3A_116 = arith.constant 0 : i32
      %dma_wait3A_117 = arith.constant 0 : i32
      %dma_wait3A_118 = tpu.memref_slice %arg2[%dma_wait3A_116, %dma_wait3A_117] : memref<10240x128xf32, #tpu.memory_space<hbm>> -> memref<10240x128xf32, #tpu.memory_space<hbm>>
      tpu.wait_indirect_dma semaphore(%arg13 : memref<!tpu.dma_semaphore, #tpu.memory_space<semaphore_mem>>) src(%dma_wait3A_118 : memref<10240x128xf32, #tpu.memory_space<hbm>>) dst(%arg11 : memref<128x128xf32, #tpu.memory_space<vmem>>)
      %add3A_119 = arith.constant 2 : i32
      %add3A_120 = arith.addi %mul3A_105, %add3A_119 : i32
      %mul3A_121 = arith.constant 128 : i32
      %mul3A_122 = arith.muli %add3A_120, %mul3A_121 : i32
      %add3A_123 = arith.addi %mul3A_8, %mul3A_122 : i32
      %dma_start3A_124 = tpu.memref_slice %arg3[%add3A_123] : memref<327936xi32, #tpu.memory_space<hbm>> -> memref<128xi32, #tpu.memory_space<hbm>>
      %dma_start3A_125 = tpu.memref_slice %arg3[%add3A_123] : memref<327936xi32, #tpu.memory_space<hbm>> -> memref<128xi32, #tpu.memory_space<hbm>>
      tpu.enqueue_dma source(%dma_start3A_125 : memref<128xi32, #tpu.memory_space<hbm>>) target(%arg7 : memref<128xi32, #tpu.memory_space<vmem>>) target_semaphore(%arg15 : memref<!tpu.dma_semaphore, #tpu.memory_space<semaphore_mem>>)
      %mul3A_126 = arith.constant 128 : i32
      %mul3A_127 = arith.muli %mul3A_105, %mul3A_126 : i32
      %add3A_128 = arith.addi %mul3A_8, %mul3A_127 : i32
      %dma_wait3A_129 = tpu.memref_slice %arg4[%add3A_128] : memref<327936xi32, #tpu.memory_space<hbm>> -> memref<128xi32, #tpu.memory_space<hbm>>
      %dma_wait3A_130 = tpu.memref_slice %arg4[%add3A_128] : memref<327936xi32, #tpu.memory_space<hbm>> -> memref<128xi32, #tpu.memory_space<hbm>>
      tpu.wait_dma2 semaphore(%arg17 : memref<!tpu.dma_semaphore, #tpu.memory_space<semaphore_mem>>) src(%dma_wait3A_130 : memref<128xi32, #tpu.memory_space<hbm>>) dst(%arg9 : memref<128xi32, #tpu.memory_space<vmem>>)
      "tpu.region"() ({
        %run_scoped3A = tpu.sem_alloc : memref<!tpu.dma_semaphore, #tpu.memory_space<semaphore_mem>>
        %dma_start3A_173 = arith.constant 0 : i32
        %dma_start3A_174 = arith.constant 0 : i32
        %dma_start3A_175 = tpu.memref_slice %arg6[%dma_start3A_173, %dma_start3A_174] : memref<10240x128xf32, #tpu.memory_space<vmem_shared>> -> memref<10240x128xf32, #tpu.memory_space<vmem_shared>>
        tpu.enqueue_indirect_dma source(%arg11 : memref<128x128xf32, #tpu.memory_space<vmem>>) target(%dma_start3A_175 : memref<10240x128xf32, #tpu.memory_space<vmem_shared>>) offsets(%arg9 : memref<128xi32, #tpu.memory_space<vmem>>) semaphore(%run_scoped3A : memref<!tpu.dma_semaphore, #tpu.memory_space<semaphore_mem>>) {add = true}
        %dma_wait3A_176 = arith.constant 0 : i32
        %dma_wait3A_177 = arith.constant 0 : i32
        %dma_wait3A_178 = tpu.memref_slice %arg6[%dma_wait3A_176, %dma_wait3A_177] : memref<10240x128xf32, #tpu.memory_space<vmem_shared>> -> memref<10240x128xf32, #tpu.memory_space<vmem_shared>>
        tpu.wait_indirect_dma semaphore(%run_scoped3A : memref<!tpu.dma_semaphore, #tpu.memory_space<semaphore_mem>>) src(%arg11 : memref<128x128xf32, #tpu.memory_space<vmem>>) dst(%dma_wait3A_178 : memref<10240x128xf32, #tpu.memory_space<vmem_shared>>)
        tpu.yield
      }) : () -> ()
      %add3A_131 = arith.constant 2 : i32
      %add3A_132 = arith.addi %mul3A_105, %add3A_131 : i32
      %mul3A_133 = arith.constant 128 : i32
      %mul3A_134 = arith.muli %add3A_132, %mul3A_133 : i32
      %add3A_135 = arith.addi %mul3A_8, %mul3A_134 : i32
      %dma_start3A_136 = tpu.memref_slice %arg4[%add3A_135] : memref<327936xi32, #tpu.memory_space<hbm>> -> memref<128xi32, #tpu.memory_space<hbm>>
      %dma_start3A_137 = tpu.memref_slice %arg4[%add3A_135] : memref<327936xi32, #tpu.memory_space<hbm>> -> memref<128xi32, #tpu.memory_space<hbm>>
      tpu.enqueue_dma source(%dma_start3A_137 : memref<128xi32, #tpu.memory_space<hbm>>) target(%arg9 : memref<128xi32, #tpu.memory_space<vmem>>) target_semaphore(%arg17 : memref<!tpu.dma_semaphore, #tpu.memory_space<semaphore_mem>>)
      %add3A_138 = arith.constant 2 : i32
      %add3A_139 = arith.addi %mul3A_105, %add3A_138 : i32
      %mul3A_140 = arith.constant 128 : i32
      %mul3A_141 = arith.muli %add3A_139, %mul3A_140 : i32
      %add3A_142 = arith.addi %mul3A_8, %mul3A_141 : i32
      %dma_wait3A_143 = tpu.memref_slice %arg3[%add3A_142] : memref<327936xi32, #tpu.memory_space<hbm>> -> memref<128xi32, #tpu.memory_space<hbm>>
      %dma_wait3A_144 = tpu.memref_slice %arg3[%add3A_142] : memref<327936xi32, #tpu.memory_space<hbm>> -> memref<128xi32, #tpu.memory_space<hbm>>
      tpu.wait_dma2 semaphore(%arg15 : memref<!tpu.dma_semaphore, #tpu.memory_space<semaphore_mem>>) src(%dma_wait3A_144 : memref<128xi32, #tpu.memory_space<hbm>>) dst(%arg7 : memref<128xi32, #tpu.memory_space<vmem>>)
      %dma_start3A_145 = arith.constant 0 : i32
      %dma_start3A_146 = arith.constant 0 : i32
      %dma_start3A_147 = tpu.memref_slice %arg2[%dma_start3A_145, %dma_start3A_146] : memref<10240x128xf32, #tpu.memory_space<hbm>> -> memref<10240x128xf32, #tpu.memory_space<hbm>>
      tpu.enqueue_indirect_dma source(%dma_start3A_147 : memref<10240x128xf32, #tpu.memory_space<hbm>>) target(%arg11 : memref<128x128xf32, #tpu.memory_space<vmem>>) offsets(%arg7 : memref<128xi32, #tpu.memory_space<vmem>>) semaphore(%arg13 : memref<!tpu.dma_semaphore, #tpu.memory_space<semaphore_mem>>)
      %dma_wait3A_148 = arith.constant 0 : i32
      %dma_wait3A_149 = arith.constant 0 : i32
      %dma_wait3A_150 = tpu.memref_slice %arg2[%dma_wait3A_148, %dma_wait3A_149] : memref<10240x128xf32, #tpu.memory_space<hbm>> -> memref<10240x128xf32, #tpu.memory_space<hbm>>
      tpu.wait_indirect_dma semaphore(%arg14 : memref<!tpu.dma_semaphore, #tpu.memory_space<semaphore_mem>>) src(%dma_wait3A_150 : memref<10240x128xf32, #tpu.memory_space<hbm>>) dst(%arg12 : memref<128x128xf32, #tpu.memory_space<vmem>>)
      %add3A_151 = arith.constant 3 : i32
      %add3A_152 = arith.addi %mul3A_105, %add3A_151 : i32
      %mul3A_153 = arith.constant 128 : i32
      %mul3A_154 = arith.muli %add3A_152, %mul3A_153 : i32
      %add3A_155 = arith.addi %mul3A_8, %mul3A_154 : i32
      %dma_start3A_156 = tpu.memref_slice %arg3[%add3A_155] : memref<327936xi32, #tpu.memory_space<hbm>> -> memref<128xi32, #tpu.memory_space<hbm>>
      %dma_start3A_157 = tpu.memref_slice %arg3[%add3A_155] : memref<327936xi32, #tpu.memory_space<hbm>> -> memref<128xi32, #tpu.memory_space<hbm>>
      tpu.enqueue_dma source(%dma_start3A_157 : memref<128xi32, #tpu.memory_space<hbm>>) target(%arg8 : memref<128xi32, #tpu.memory_space<vmem>>) target_semaphore(%arg16 : memref<!tpu.dma_semaphore, #tpu.memory_space<semaphore_mem>>)
      %add3A_158 = arith.constant 1 : i32
      %add3A_159 = arith.addi %mul3A_105, %add3A_158 : i32
      %mul3A_160 = arith.constant 128 : i32
      %mul3A_161 = arith.muli %add3A_159, %mul3A_160 : i32
      %add3A_162 = arith.addi %mul3A_8, %mul3A_161 : i32
      %dma_wait3A_163 = tpu.memref_slice %arg4[%add3A_162] : memref<327936xi32, #tpu.memory_space<hbm>> -> memref<128xi32, #tpu.memory_space<hbm>>
      %dma_wait3A_164 = tpu.memref_slice %arg4[%add3A_162] : memref<327936xi32, #tpu.memory_space<hbm>> -> memref<128xi32, #tpu.memory_space<hbm>>
      tpu.wait_dma2 semaphore(%arg18 : memref<!tpu.dma_semaphore, #tpu.memory_space<semaphore_mem>>) src(%dma_wait3A_164 : memref<128xi32, #tpu.memory_space<hbm>>) dst(%arg10 : memref<128xi32, #tpu.memory_space<vmem>>)
      "tpu.region"() ({
        %run_scoped3A = tpu.sem_alloc : memref<!tpu.dma_semaphore, #tpu.memory_space<semaphore_mem>>
        %dma_start3A_173 = arith.constant 0 : i32
        %dma_start3A_174 = arith.constant 0 : i32
        %dma_start3A_175 = tpu.memref_slice %arg6[%dma_start3A_173, %dma_start3A_174] : memref<10240x128xf32, #tpu.memory_space<vmem_shared>> -> memref<10240x128xf32, #tpu.memory_space<vmem_shared>>
        tpu.enqueue_indirect_dma source(%arg12 : memref<128x128xf32, #tpu.memory_space<vmem>>) target(%dma_start3A_175 : memref<10240x128xf32, #tpu.memory_space<vmem_shared>>) offsets(%arg10 : memref<128xi32, #tpu.memory_space<vmem>>) semaphore(%run_scoped3A : memref<!tpu.dma_semaphore, #tpu.memory_space<semaphore_mem>>) {add = true}
        %dma_wait3A_176 = arith.constant 0 : i32
        %dma_wait3A_177 = arith.constant 0 : i32
        %dma_wait3A_178 = tpu.memref_slice %arg6[%dma_wait3A_176, %dma_wait3A_177] : memref<10240x128xf32, #tpu.memory_space<vmem_shared>> -> memref<10240x128xf32, #tpu.memory_space<vmem_shared>>
        tpu.wait_indirect_dma semaphore(%run_scoped3A : memref<!tpu.dma_semaphore, #tpu.memory_space<semaphore_mem>>) src(%arg12 : memref<128x128xf32, #tpu.memory_space<vmem>>) dst(%dma_wait3A_178 : memref<10240x128xf32, #tpu.memory_space<vmem_shared>>)
        tpu.yield
      }) : () -> ()
      %add3A_165 = arith.constant 3 : i32
      %add3A_166 = arith.addi %mul3A_105, %add3A_165 : i32
      %mul3A_167 = arith.constant 128 : i32
      %mul3A_168 = arith.muli %add3A_166, %mul3A_167 : i32
      %add3A_169 = arith.addi %mul3A_8, %mul3A_168 : i32
      %dma_start3A_170 = tpu.memref_slice %arg4[%add3A_169] : memref<327936xi32, #tpu.memory_space<hbm>> -> memref<128xi32, #tpu.memory_space<hbm>>
      %dma_start3A_171 = tpu.memref_slice %arg4[%add3A_169] : memref<327936xi32, #tpu.memory_space<hbm>> -> memref<128xi32, #tpu.memory_space<hbm>>
      tpu.enqueue_dma source(%dma_start3A_171 : memref<128xi32, #tpu.memory_space<hbm>>) target(%arg10 : memref<128xi32, #tpu.memory_space<vmem>>) target_semaphore(%arg18 : memref<!tpu.dma_semaphore, #tpu.memory_space<semaphore_mem>>)
      %while3A_172 = arith.constant 0 : i32
      scf.yield %while3A_172 : i32
    }
    %dma_wait3A_72 = arith.constant 0 : i32
    %dma_wait3A_73 = arith.constant 0 : i32
    %dma_wait3A_74 = tpu.memref_slice %arg2[%dma_wait3A_72, %dma_wait3A_73] : memref<10240x128xf32, #tpu.memory_space<hbm>> -> memref<10240x128xf32, #tpu.memory_space<hbm>>
    tpu.wait_indirect_dma semaphore(%arg13 : memref<!tpu.dma_semaphore, #tpu.memory_space<semaphore_mem>>) src(%dma_wait3A_74 : memref<10240x128xf32, #tpu.memory_space<hbm>>) dst(%arg11 : memref<128x128xf32, #tpu.memory_space<vmem>>)
    %add3A_75 = arith.constant 1 : i32
    %add3A_76 = arith.addi %select_n3A, %add3A_75 : i32
    %mul3A_77 = arith.constant 128 : i32
    %mul3A_78 = arith.muli %add3A_76, %mul3A_77 : i32
    %add3A_79 = arith.addi %mul3A_8, %mul3A_78 : i32
    %dma_wait3A_80 = tpu.memref_slice %arg3[%add3A_79] : memref<327936xi32, #tpu.memory_space<hbm>> -> memref<128xi32, #tpu.memory_space<hbm>>
    %dma_wait3A_81 = tpu.memref_slice %arg3[%add3A_79] : memref<327936xi32, #tpu.memory_space<hbm>> -> memref<128xi32, #tpu.memory_space<hbm>>
    tpu.wait_dma2 semaphore(%arg16 : memref<!tpu.dma_semaphore, #tpu.memory_space<semaphore_mem>>) src(%dma_wait3A_81 : memref<128xi32, #tpu.memory_space<hbm>>) dst(%arg8 : memref<128xi32, #tpu.memory_space<vmem>>)
    %mul3A_82 = arith.constant 128 : i32
    %mul3A_83 = arith.muli %select_n3A, %mul3A_82 : i32
    %add3A_84 = arith.addi %mul3A_8, %mul3A_83 : i32
    %dma_wait3A_85 = tpu.memref_slice %arg4[%add3A_84] : memref<327936xi32, #tpu.memory_space<hbm>> -> memref<128xi32, #tpu.memory_space<hbm>>
    %dma_wait3A_86 = tpu.memref_slice %arg4[%add3A_84] : memref<327936xi32, #tpu.memory_space<hbm>> -> memref<128xi32, #tpu.memory_space<hbm>>
    tpu.wait_dma2 semaphore(%arg17 : memref<!tpu.dma_semaphore, #tpu.memory_space<semaphore_mem>>) src(%dma_wait3A_86 : memref<128xi32, #tpu.memory_space<hbm>>) dst(%arg9 : memref<128xi32, #tpu.memory_space<vmem>>)
    %add3A_87 = arith.constant 1 : i32
    %add3A_88 = arith.addi %select_n3A, %add3A_87 : i32
    %mul3A_89 = arith.constant 128 : i32
    %mul3A_90 = arith.muli %add3A_88, %mul3A_89 : i32
    %add3A_91 = arith.addi %mul3A_8, %mul3A_90 : i32
    %dma_wait3A_92 = tpu.memref_slice %arg4[%add3A_91] : memref<327936xi32, #tpu.memory_space<hbm>> -> memref<128xi32, #tpu.memory_space<hbm>>
    %dma_wait3A_93 = tpu.memref_slice %arg4[%add3A_91] : memref<327936xi32, #tpu.memory_space<hbm>> -> memref<128xi32, #tpu.memory_space<hbm>>
    tpu.wait_dma2 semaphore(%arg18 : memref<!tpu.dma_semaphore, #tpu.memory_space<semaphore_mem>>) src(%dma_wait3A_93 : memref<128xi32, #tpu.memory_space<hbm>>) dst(%arg10 : memref<128xi32, #tpu.memory_space<vmem>>)
    %barrier3A_94 = arith.constant 0 : index
    tpu.barrier barrier_id(%barrier3A_94)
    %scan3A_95 = arith.constant 0 : i32
    %scan3A_96 = arith.constant 0 : i32
    %scan3A_97 = arith.constant 5 : i32
    %scan3A_98 = arith.addi %scan3A_96, %scan3A_97 : i32
    %scan3A_99 = arith.constant 1 : i32
    %scan3A_100 = scf.for %scan3A_102 = %scan3A_96 to %scan3A_98 step %scan3A_99 iter_args(%scan3A_103 = %scan3A_95) -> (i32)  : i32 {
      %mul3A_104 = arith.constant 640 : i32
      %mul3A_105 = arith.muli %arg1, %mul3A_104 : i32
      %mul3A_106 = arith.constant 128 : i32
      %mul3A_107 = arith.muli %scan3A_102, %mul3A_106 : i32
      %add3A_108 = arith.addi %mul3A_105, %mul3A_107 : i32
      %mul3A_109 = arith.constant 10240 : i32
      %mul3A_110 = arith.muli %arg0, %mul3A_109 : i32
      %add3A_111 = arith.addi %mul3A_110, %add3A_108 : i32
      "tpu.region"() ({
        %run_scoped3A = tpu.sem_alloc : memref<!tpu.dma_semaphore, #tpu.memory_space<semaphore_mem>>
        %dma_start3A_113 = arith.constant 0 : i32
        %dma_start3A_114 = tpu.memref_slice %arg5[%add3A_111, %dma_start3A_113] : memref<20480x128xf32, #tpu.memory_space<hbm>> -> memref<128x128xf32, #tpu.memory_space<hbm>>
        %dma_start3A_115 = arith.constant 0 : i32
        %dma_start3A_116 = tpu.memref_slice %arg6[%add3A_108, %dma_start3A_115] : memref<10240x128xf32, #tpu.memory_space<vmem_shared>> -> memref<128x128xf32, #tpu.memory_space<vmem_shared>>
        tpu.enqueue_dma source(%dma_start3A_116 : memref<128x128xf32, #tpu.memory_space<vmem_shared>>) target(%dma_start3A_114 : memref<128x128xf32, #tpu.memory_space<hbm>>) target_semaphore(%run_scoped3A : memref<!tpu.dma_semaphore, #tpu.memory_space<semaphore_mem>>)
        %dma_wait3A_117 = arith.constant 0 : i32
        %dma_wait3A_118 = tpu.memref_slice %arg5[%add3A_111, %dma_wait3A_117] : memref<20480x128xf32, #tpu.memory_space<hbm>> -> memref<128x128xf32, #tpu.memory_space<hbm>>
        %dma_wait3A_119 = arith.constant 0 : i32
        %dma_wait3A_120 = tpu.memref_slice %arg6[%add3A_108, %dma_wait3A_119] : memref<10240x128xf32, #tpu.memory_space<vmem_shared>> -> memref<128x128xf32, #tpu.memory_space<vmem_shared>>
        tpu.wait_dma2 semaphore(%run_scoped3A : memref<!tpu.dma_semaphore, #tpu.memory_space<semaphore_mem>>) src(%dma_wait3A_120 : memref<128x128xf32, #tpu.memory_space<vmem_shared>>) dst(%dma_wait3A_118 : memref<128x128xf32, #tpu.memory_space<hbm>>)
        tpu.yield
      }) : () -> ()
      %scan3A_112 = arith.constant 0 : i32
      scf.yield %scan3A_112 : i32
    }
    %scan3A_101 = arith.constant 5 : i32
    return
  }
}

module attributes {stable_mosaic.version = 14 : i64} {
  func.func @_tc1_body(%arg0: i32, %arg1: memref<512x128xf32, #tpu.memory_space<vmem>>, %arg2: memref<512x128xf32, #tpu.memory_space<vmem>>, %arg3: memref<512x1xf32, #tpu.memory_space<vmem>>, %arg4: memref<512x1xf32, #tpu.memory_space<vmem>>, %arg5: memref<512x128xf32, #tpu.memory_space<vmem>>, %arg6: memref<128x256xf32, #tpu.memory_space<vmem>>, %arg7: memref<128x256xf32, #tpu.memory_space<vmem>>, %arg8: memref<1x256xf32, #tpu.memory_space<vmem>>, %arg9: memref<256x128xf32, #tpu.memory_space<vmem>>, %arg10: memref<256x128xf32, #tpu.memory_space<vmem>>, %arg11: memref<1x128xf32, #tpu.memory_space<vmem>>, %arg12: memref<512x128xf32, #tpu.memory_space<vmem>>, %arg13: memref<512x128xf32, #tpu.memory_space<vmem>>) attributes {dimension_semantics = [#tpu.dimension_semantics<arbitrary>], iteration_bounds = array<i64: 20>, scalar_prefetch = 0 : i64, scratch_operands = 0 : i64, tpu.core_type = #tpu.core_type<tc>, window_params = [{transform_indices = @transform_0, window_bounds = array<i64: 512, 128>}, {transform_indices = @transform_1, window_bounds = array<i64: 512, 128>}, {transform_indices = @transform_2, window_bounds = array<i64: 512, 1>}, {transform_indices = @transform_3, window_bounds = array<i64: 512, 1>}, {transform_indices = @transform_4, window_bounds = array<i64: 512, 128>}, {pipeline_mode = #tpu.pipeline_mode<synchronous>, transform_indices = @transform_5, window_bounds = array<i64: 128, 256>}, {pipeline_mode = #tpu.pipeline_mode<synchronous>, transform_indices = @transform_6, window_bounds = array<i64: 128, 256>}, {pipeline_mode = #tpu.pipeline_mode<synchronous>, transform_indices = @transform_7, window_bounds = array<i64: 1, 256>}, {pipeline_mode = #tpu.pipeline_mode<synchronous>, transform_indices = @transform_8, window_bounds = array<i64: 256, 128>}, {pipeline_mode = #tpu.pipeline_mode<synchronous>, transform_indices = @transform_9, window_bounds = array<i64: 256, 128>}, {pipeline_mode = #tpu.pipeline_mode<synchronous>, transform_indices = @transform_10, window_bounds = array<i64: 1, 128>}, {transform_indices = @transform_11, window_bounds = array<i64: 512, 128>}, {transform_indices = @transform_12, window_bounds = array<i64: 512, 128>}]} {
    %get3A = arith.constant 0 : index
    %get3A_0 = arith.constant 0 : index
    %get3A_1 = vector.load %arg3[%get3A, %get3A_0] : memref<512x1xf32, #tpu.memory_space<vmem>>, vector<512x1xf32>
    %get3A_2 = arith.constant 0 : index
    %get3A_3 = arith.constant 0 : index
    %get3A_4 = vector.load %arg4[%get3A_2, %get3A_3] : memref<512x1xf32, #tpu.memory_space<vmem>>, vector<512x1xf32>
    %add3A = arith.addf %get3A_1, %get3A_4 : vector<512x1xf32>
    %max3A = arith.constant 1.000000e+00 : f32
    %max3A_5 = vector.broadcast %max3A : f32 to vector<512x1xf32>
    %max3A_6 = arith.maximumf %add3A, %max3A_5 : vector<512x1xf32>
    %get3A_7 = arith.constant 0 : index
    %get3A_8 = arith.constant 0 : index
    %get3A_9 = vector.load %arg1[%get3A_7, %get3A_8] : memref<512x128xf32, #tpu.memory_space<vmem>>, vector<512x128xf32>
    %get3A_10 = arith.constant 0 : index
    %get3A_11 = arith.constant 0 : index
    %get3A_12 = vector.load %arg2[%get3A_10, %get3A_11] : memref<512x128xf32, #tpu.memory_space<vmem>>, vector<512x128xf32>
    %add3A_13 = arith.addf %get3A_9, %get3A_12 : vector<512x128xf32>
    %div3A = vector.broadcast %max3A_6 : vector<512x1xf32> to vector<512x128xf32>
    %div3A_14 = arith.divf %add3A_13, %div3A : vector<512x128xf32>
    %get3A_15 = arith.constant 0 : index
    %get3A_16 = arith.constant 0 : index
    %get3A_17 = vector.load %arg6[%get3A_15, %get3A_16] : memref<128x256xf32, #tpu.memory_space<vmem>>, vector<128x256xf32>
    %dot_general3A = arith.constant dense<0.000000e+00> : vector<512x256xf32>
    %dot_general3A_18 = tpu.matmul %div3A_14, %get3A_17, %dot_general3A {dimension_numbers = #tpu.dot_dimension_numbers<[1], [0], [0], [1], [0, 0, 1, 1], [], []>, transpose_lhs_hint = false} : vector<512x128xf32>, vector<128x256xf32>, vector<512x256xf32> -> vector<512x256xf32>
    %get3A_19 = arith.constant 0 : index
    %get3A_20 = arith.constant 0 : index
    %get3A_21 = vector.load %arg5[%get3A_19, %get3A_20] : memref<512x128xf32, #tpu.memory_space<vmem>>, vector<512x128xf32>
    %get3A_22 = arith.constant 0 : index
    %get3A_23 = arith.constant 0 : index
    %get3A_24 = vector.load %arg7[%get3A_22, %get3A_23] : memref<128x256xf32, #tpu.memory_space<vmem>>, vector<128x256xf32>
    %dot_general3A_25 = arith.constant dense<0.000000e+00> : vector<512x256xf32>
    %dot_general3A_26 = tpu.matmul %get3A_21, %get3A_24, %dot_general3A_25 {dimension_numbers = #tpu.dot_dimension_numbers<[1], [0], [0], [1], [0, 0, 1, 1], [], []>, transpose_lhs_hint = false} : vector<512x128xf32>, vector<128x256xf32>, vector<512x256xf32> -> vector<512x256xf32>
    %add3A_27 = arith.addf %dot_general3A_18, %dot_general3A_26 : vector<512x256xf32>
    %get3A_28 = arith.constant 0 : index
    %get3A_29 = arith.constant 0 : index
    %get3A_30 = vector.load %arg8[%get3A_28, %get3A_29] : memref<1x256xf32, #tpu.memory_space<vmem>>, vector<1x256xf32>
    %add3A_31 = vector.broadcast %get3A_30 : vector<1x256xf32> to vector<512x256xf32>
    %add3A_32 = arith.addf %add3A_27, %add3A_31 : vector<512x256xf32>
    %max3A_33 = arith.constant 0.000000e+00 : f32
    %max3A_34 = vector.broadcast %max3A_33 : f32 to vector<512x256xf32>
    %max3A_35 = arith.maximumf %add3A_32, %max3A_34 : vector<512x256xf32>
    %get3A_36 = arith.constant 0 : index
    %get3A_37 = arith.constant 0 : index
    %get3A_38 = vector.load %arg9[%get3A_36, %get3A_37] : memref<256x128xf32, #tpu.memory_space<vmem>>, vector<256x128xf32>
    %dot_general3A_39 = arith.constant dense<0.000000e+00> : vector<512x128xf32>
    %dot_general3A_40 = tpu.matmul %max3A_35, %get3A_38, %dot_general3A_39 {dimension_numbers = #tpu.dot_dimension_numbers<[1], [0], [0], [1], [0, 0, 1, 1], [], []>, transpose_lhs_hint = false} : vector<512x256xf32>, vector<256x128xf32>, vector<512x128xf32> -> vector<512x128xf32>
    %swap3A = arith.constant 0 : index
    %swap3A_41 = arith.constant 0 : index
    %swap3A_42 = vector.load %arg12[%swap3A, %swap3A_41] : memref<512x128xf32, #tpu.memory_space<vmem>>, vector<512x128xf32>
    tpu.vector_store %arg12[%swap3A, %swap3A_41], %dot_general3A_40 {strides = array<i32>} : memref<512x128xf32, #tpu.memory_space<vmem>>, vector<512x128xf32>,
    %get3A_43 = arith.constant 0 : index
    %get3A_44 = arith.constant 0 : index
    %get3A_45 = vector.load %arg10[%get3A_43, %get3A_44] : memref<256x128xf32, #tpu.memory_space<vmem>>, vector<256x128xf32>
    %dot_general3A_46 = arith.constant dense<0.000000e+00> : vector<512x128xf32>
    %dot_general3A_47 = tpu.matmul %max3A_35, %get3A_45, %dot_general3A_46 {dimension_numbers = #tpu.dot_dimension_numbers<[1], [0], [0], [1], [0, 0, 1, 1], [], []>, transpose_lhs_hint = false} : vector<512x256xf32>, vector<256x128xf32>, vector<512x128xf32> -> vector<512x128xf32>
    %get3A_48 = arith.constant 0 : index
    %get3A_49 = arith.constant 0 : index
    %get3A_50 = vector.load %arg11[%get3A_48, %get3A_49] : memref<1x128xf32, #tpu.memory_space<vmem>>, vector<1x128xf32>
    %add3A_51 = vector.broadcast %get3A_50 : vector<1x128xf32> to vector<512x128xf32>
    %add3A_52 = arith.addf %dot_general3A_47, %add3A_51 : vector<512x128xf32>
    %swap3A_53 = arith.constant 0 : index
    %swap3A_54 = arith.constant 0 : index
    %swap3A_55 = vector.load %arg13[%swap3A_53, %swap3A_54] : memref<512x128xf32, #tpu.memory_space<vmem>>, vector<512x128xf32>
    tpu.vector_store %arg13[%swap3A_53, %swap3A_54], %add3A_52 {strides = array<i32>} : memref<512x128xf32, #tpu.memory_space<vmem>>, vector<512x128xf32>,
    return
  }
  func.func @transform_0(%arg0: i32) -> (i32, i32) {
    %c0_i32 = arith.constant 0 : i32
    %c0_i32_0 = arith.constant 0 : i32
    return %arg0, %c0_i32 : i32, i32
  }
  func.func @transform_1(%arg0: i32) -> (i32, i32) {
    %add3A = arith.constant 20 : i32
    %add3A_0 = arith.addi %arg0, %add3A : i32
    %c0_i32 = arith.constant 0 : i32
    %c0_i32_1 = arith.constant 0 : i32
    return %add3A_0, %c0_i32 : i32, i32
  }
  func.func @transform_2(%arg0: i32) -> (i32, i32) {
    %c0_i32 = arith.constant 0 : i32
    %c0_i32_0 = arith.constant 0 : i32
    return %arg0, %c0_i32 : i32, i32
  }
  func.func @transform_3(%arg0: i32) -> (i32, i32) {
    %add3A = arith.constant 20 : i32
    %add3A_0 = arith.addi %arg0, %add3A : i32
    %c0_i32 = arith.constant 0 : i32
    %c0_i32_1 = arith.constant 0 : i32
    return %add3A_0, %c0_i32 : i32, i32
  }
  func.func @transform_4(%arg0: i32) -> (i32, i32) {
    %c0_i32 = arith.constant 0 : i32
    %c0_i32_0 = arith.constant 0 : i32
    return %arg0, %c0_i32 : i32, i32
  }
  func.func @transform_5(%arg0: i32) -> (i32, i32) {
    %c0_i32 = arith.constant 0 : i32
    %c0_i32_0 = arith.constant 0 : i32
    %c0_i32_1 = arith.constant 0 : i32
    return %c0_i32, %c0_i32_0 : i32, i32
  }
  func.func @transform_6(%arg0: i32) -> (i32, i32) {
    %c0_i32 = arith.constant 0 : i32
    %c0_i32_0 = arith.constant 0 : i32
    %c0_i32_1 = arith.constant 0 : i32
    return %c0_i32, %c0_i32_0 : i32, i32
  }
  func.func @transform_7(%arg0: i32) -> (i32, i32) {
    %c0_i32 = arith.constant 0 : i32
    %c0_i32_0 = arith.constant 0 : i32
    %c0_i32_1 = arith.constant 0 : i32
    return %c0_i32, %c0_i32_0 : i32, i32
  }
  func.func @transform_8(%arg0: i32) -> (i32, i32) {
    %c0_i32 = arith.constant 0 : i32
    %c0_i32_0 = arith.constant 0 : i32
    %c0_i32_1 = arith.constant 0 : i32
    return %c0_i32, %c0_i32_0 : i32, i32
  }
  func.func @transform_9(%arg0: i32) -> (i32, i32) {
    %c0_i32 = arith.constant 0 : i32
    %c0_i32_0 = arith.constant 0 : i32
    %c0_i32_1 = arith.constant 0 : i32
    return %c0_i32, %c0_i32_0 : i32, i32
  }
  func.func @transform_10(%arg0: i32) -> (i32, i32) {
    %c0_i32 = arith.constant 0 : i32
    %c0_i32_0 = arith.constant 0 : i32
    %c0_i32_1 = arith.constant 0 : i32
    return %c0_i32, %c0_i32_0 : i32, i32
  }
  func.func @transform_11(%arg0: i32) -> (i32, i32) {
    %c0_i32 = arith.constant 0 : i32
    %c0_i32_0 = arith.constant 0 : i32
    return %arg0, %c0_i32 : i32, i32
  }
  func.func @transform_12(%arg0: i32) -> (i32, i32) {
    %c0_i32 = arith.constant 0 : i32
    %c0_i32_0 = arith.constant 0 : i32
    return %arg0, %c0_i32 : i32, i32
  }
}

module attributes {stable_mosaic.version = 14 : i64} {
  func.func @_tc2_body(%arg0: i32, %arg1: memref<512x128xf32, #tpu.memory_space<vmem>>, %arg2: memref<512x128xf32, #tpu.memory_space<vmem>>, %arg3: memref<512x1xf32, #tpu.memory_space<vmem>>, %arg4: memref<512x1xf32, #tpu.memory_space<vmem>>, %arg5: memref<512x128xf32, #tpu.memory_space<vmem>>, %arg6: memref<512x128xf32, #tpu.memory_space<vmem>>) attributes {dimension_semantics = [#tpu.dimension_semantics<arbitrary>], iteration_bounds = array<i64: 20>, scalar_prefetch = 0 : i64, scratch_operands = 0 : i64, tpu.core_type = #tpu.core_type<tc>, window_params = [{transform_indices = @transform_0, window_bounds = array<i64: 512, 128>}, {transform_indices = @transform_1, window_bounds = array<i64: 512, 128>}, {transform_indices = @transform_2, window_bounds = array<i64: 512, 1>}, {transform_indices = @transform_3, window_bounds = array<i64: 512, 1>}, {transform_indices = @transform_4, window_bounds = array<i64: 512, 128>}, {transform_indices = @transform_5, window_bounds = array<i64: 512, 128>}]} {
    %get3A = arith.constant 0 : index
    %get3A_0 = arith.constant 0 : index
    %get3A_1 = vector.load %arg3[%get3A, %get3A_0] : memref<512x1xf32, #tpu.memory_space<vmem>>, vector<512x1xf32>
    %get3A_2 = arith.constant 0 : index
    %get3A_3 = arith.constant 0 : index
    %get3A_4 = vector.load %arg4[%get3A_2, %get3A_3] : memref<512x1xf32, #tpu.memory_space<vmem>>, vector<512x1xf32>
    %add3A = arith.addf %get3A_1, %get3A_4 : vector<512x1xf32>
    %max3A = arith.constant 1.000000e+00 : f32
    %max3A_5 = vector.broadcast %max3A : f32 to vector<512x1xf32>
    %max3A_6 = arith.maximumf %add3A, %max3A_5 : vector<512x1xf32>
    %get3A_7 = arith.constant 0 : index
    %get3A_8 = arith.constant 0 : index
    %get3A_9 = vector.load %arg1[%get3A_7, %get3A_8] : memref<512x128xf32, #tpu.memory_space<vmem>>, vector<512x128xf32>
    %get3A_10 = arith.constant 0 : index
    %get3A_11 = arith.constant 0 : index
    %get3A_12 = vector.load %arg2[%get3A_10, %get3A_11] : memref<512x128xf32, #tpu.memory_space<vmem>>, vector<512x128xf32>
    %add3A_13 = arith.addf %get3A_9, %get3A_12 : vector<512x128xf32>
    %div3A = vector.broadcast %max3A_6 : vector<512x1xf32> to vector<512x128xf32>
    %div3A_14 = arith.divf %add3A_13, %div3A : vector<512x128xf32>
    %get3A_15 = arith.constant 0 : index
    %get3A_16 = arith.constant 0 : index
    %get3A_17 = vector.load %arg5[%get3A_15, %get3A_16] : memref<512x128xf32, #tpu.memory_space<vmem>>, vector<512x128xf32>
    %add3A_18 = arith.addf %div3A_14, %get3A_17 : vector<512x128xf32>
    %mul3A = arith.mulf %add3A_18, %add3A_18 : vector<512x128xf32>
    %reduce_sum3A = arith.constant dense<0.000000e+00> : vector<512xf32>
    %reduce_sum3A_19 = vector.multi_reduction <add>, %mul3A, %reduce_sum3A [1] : vector<512x128xf32> to vector<512xf32>
    %broadcast_in_dim3A = vector.shape_cast %reduce_sum3A_19 : vector<512xf32> to vector<512x1xf32>
    %sqrt3A = math.sqrt %broadcast_in_dim3A : vector<512x1xf32>
    %max3A_20 = arith.constant 9.99999996E-13 : f32
    %max3A_21 = vector.broadcast %max3A_20 : f32 to vector<512x1xf32>
    %max3A_22 = arith.maximumf %sqrt3A, %max3A_21 : vector<512x1xf32>
    %div3A_23 = vector.broadcast %max3A_22 : vector<512x1xf32> to vector<512x128xf32>
    %div3A_24 = arith.divf %add3A_18, %div3A_23 : vector<512x128xf32>
    %swap3A = arith.constant 0 : index
    %swap3A_25 = arith.constant 0 : index
    %swap3A_26 = vector.load %arg6[%swap3A, %swap3A_25] : memref<512x128xf32, #tpu.memory_space<vmem>>, vector<512x128xf32>
    tpu.vector_store %arg6[%swap3A, %swap3A_25], %div3A_24 {strides = array<i32>} : memref<512x128xf32, #tpu.memory_space<vmem>>, vector<512x128xf32>,
    return
  }
  func.func @transform_0(%arg0: i32) -> (i32, i32) {
    %c0_i32 = arith.constant 0 : i32
    %c0_i32_0 = arith.constant 0 : i32
    return %arg0, %c0_i32 : i32, i32
  }
  func.func @transform_1(%arg0: i32) -> (i32, i32) {
    %add3A = arith.constant 20 : i32
    %add3A_0 = arith.addi %arg0, %add3A : i32
    %c0_i32 = arith.constant 0 : i32
    %c0_i32_1 = arith.constant 0 : i32
    return %add3A_0, %c0_i32 : i32, i32
  }
  func.func @transform_2(%arg0: i32) -> (i32, i32) {
    %c0_i32 = arith.constant 0 : i32
    %c0_i32_0 = arith.constant 0 : i32
    return %arg0, %c0_i32 : i32, i32
  }
  func.func @transform_3(%arg0: i32) -> (i32, i32) {
    %add3A = arith.constant 20 : i32
    %add3A_0 = arith.addi %arg0, %add3A : i32
    %c0_i32 = arith.constant 0 : i32
    %c0_i32_1 = arith.constant 0 : i32
    return %add3A_0, %c0_i32 : i32, i32
  }
  func.func @transform_4(%arg0: i32) -> (i32, i32) {
    %c0_i32 = arith.constant 0 : i32
    %c0_i32_0 = arith.constant 0 : i32
    return %arg0, %c0_i32 : i32, i32
  }
  func.func @transform_5(%arg0: i32) -> (i32, i32) {
    %c0_i32 = arith.constant 0 : i32
    %c0_i32_0 = arith.constant 0 : i32
    return %arg0, %c0_i32 : i32, i32
  }
}

</mosaic_0001>

<sc_bundles>
// kernel: kernel.6.cloned.1.call-start
scs
__scs_entry_jumppad:
0x0: {  	(pc) =	sbr.rel $0x88, $3  }
0x1: {  	(tag) =	ssettag $0x0;
	lr =	simm.s32 $0x1  }
0x2: {  	[smem:$0x3F99] =	sst lr;
	_ =	strace $0xD0000000  }
0x3: {  	_ = 	snop  }
0x4: {  	_ = 	snop  }
0x5: {  	_ = 	snop  }
0x6: {  	_ = 	snop  }
0x7: {  	_ = 	snop  }
__scs_overlays_trampoline_lowered:
0x8: {  	[smem:$0x3FA8] =	sst s0  }
0x9: {  	[smem:$0x3FA9] =	sst s1  }
0xa: {  	[smem:$0x3FAA] =	sst s2  }
0xb: {  	[smem:$0x3FAB] =	sst s3  }
0xc: {  	[smem:$0x3FAC] =	sst s4  }
0xd: {  	[smem:$0x3FAD] =	sst s5  }
0xe: {  	[smem:$0x3FAE] =	sst s6  }
0xf: {  	[smem:$0x3FAF] =	sst s7  }
0x10: {  	[smem:$0x3FB0] =	sst s8  }
0x11: {  	[smem:$0x3FB1] =	sst s9;
	s0 =	simm.s32 @!p0 $0x0  }
0x12: {  	s1 =	sld [smem:$0x3F97];
	s0 =	simm.s32 @p0 $0x1  }
0x13: {  	[smem:$0x3FB2] =	sst s0;
	s0 =	simm.s32 @!p1 $0x0  }
0x14: {  	s2 =	sld [smem:$0x3F96];
	s0 =	simm.s32 @p1 $0x1  }
0x15: {  	[smem:$0x3FB3] =	sst s0;
	s0 =	simm.s32 @!p2 $0x0  }
0x16: {  	s3 =	sld [smem:$0x3FDB];
	s0 =	simm.s32 @p2 $0x1  }
0x17: {  	s4 =	simm.s32 $0x1BF5;
	[smem:$0x3FB5] =	sst s0  }
0x18: {  	s0 =	sld [smem:$0x3F98];
	_ =	swait.ge [sflag:s4], $0x0  }
0x19: {  	s7 =	sld [smem:$0x3F99]  }
0x1a: {  	s8 =	sadd.s32 $0xFFFFE003, lr  }
0x1b: {  	s9 =	sadd.s32 $0xFFFFFEF7, lr;
	s5 =	simm.s32 $0xFFFFFFFF;
	p2 =	slt.u32 s8, $0xFFFFF086  }
0x1c: {  	p1 =	slt.u32 s9, $0xF7A;
	s5 =	simm.s32 @!p2 $0x0  }
0x1d: {  	s5 =	simm.s32 @p1 $0x1;
	p0 =	seq.s32 s7, s2  }
0x1e: {  	s7 =	smul.u32 @!p0 $0xF7A, s2;
	p2 =	seq.s32 @!p0 s5, $0x0  }
0x1f: {  	s9 =	smul.u32 $0xF7A, s1;
	s8 =	simm.s32 @!p0 $0x1BF5;
	p2 =	por !p2, p0  }
0x20: {  	[sflag:s8] =	ssyncset.s32 @!p0 $0xFFFFF086;
	s6 =	sadd.s32 @!p0 s3, s7;
	s7 =	simm.s32 @!p0 $0x108  }
0x21: {  	s3 =	sadd.s32 s3, s9;
	s6 =	sadd.s32 @!p0 $0x88, s6;
	s7 =	simm.s32 @p2 $0x1082  }
0x22: {  	[simem:s7], [sflag:s8] =	dma.local @!p0 [hbm:s6], $0xF7A  }
0x23: {  	s9 =	sor.u32 $0xD0000000, s2;
	s6 =	simm.s32 $0x108;
	_ =	swait.ge @!p0 [sflag:s8], $0x0  }
0x24: {  	s3 =	sadd.s32 $0x88, s3;
	s6 =	simm.s32 @!p1 $0x1082;
	[sflag:s4] =	ssyncset.s32 $0xFFFFF086  }
0x25: {  	[simem:s6], [sflag:s4] =	dma.local [hbm:s3], $0xF7A  }
0x26: {  	[smem:$0x3F99] =	sst s1;
	(tag) =	ssettag s2;
	_ =	strace s9  }
0x27: {  	s1 =	sld [smem:$0x3FA9]  }
0x28: {  	s2 =	sld [smem:$0x3FAA]  }
0x29: {  	s4 =	sld [smem:$0x3FAC]  }
0x2a: {  	p0 =	seq.s32 s5, $0x0;
	s5 =	sld [smem:$0x3FAD]  }
0x2b: {  	s6 =	sld [smem:$0x3FAE]  }
0x2c: {  	s7 =	sld [smem:$0x3FAF]  }
0x2d: {  	s3 =	simm.s32 $0x108;
	s8 =	sld [smem:$0x3FB0]  }
0x2e: {  	s3 =	simm.s32 @!p0 $0x1082;
	s9 =	sld [smem:$0x3FB1]  }
0x2f: {  	lr =	sadd.s32 s0, s3;
	s0 =	sld [smem:$0x3FA8]  }
0x30: {  	s3 =	sld [smem:$0x3FAB]  }
0x31: {  	[smem:$0x3FB4] =	sst s10  }
0x32: {  	s10 =	sld [smem:$0x3FB2];
	_ =	sdelay $0x3  }
0x33: {  	p0 =	seq.s32 s10, $0x1;
	s10 =	sld [smem:$0x3FB4];
	_ =	sdelay $0x3  }
0x34: {  	[smem:$0x3FB4] =	sst s10  }
0x35: {  	s10 =	sld [smem:$0x3FB3];
	_ =	sdelay $0x3  }
0x36: {  	p1 =	seq.s32 s10, $0x1;
	s10 =	sld [smem:$0x3FB4];
	_ =	sdelay $0x3  }
0x37: {  	[smem:$0x3FB4] =	sst s10  }
0x38: {  	s10 =	sld [smem:$0x3FB5]  }
0x39: {  	_ = 	snop;
	(pc) =	sbr.ind lr, $3  }
0x3a: {  	_ = 	snop  }
0x3b: {  	_ = 	snop  }
0x3c: {  	p2 =	seq.s32 s10, $0x1;
	s10 =	sld [smem:$0x3FB4]  }
0x3d: {  	_ =	shalt  }
0x3e: {  	_ =	shalt  }
0x3f: {  	_ =	shalt  }
0x40: {  	_ =	shalt  }
0x41: {  	_ =	shalt  }
0x42: {  	_ =	shalt  }
0x43: {  	_ =	shalt  }
0x44: {  	_ =	shalt  }
0x45: {  	_ =	shalt  }
0x46: {  	_ =	shalt  }
0x47: {  	_ =	shalt  }
0x48: {  	_ =	shalt  }
0x49: {  	_ =	shalt  }
0x4a: {  	_ =	shalt  }
0x4b: {  	_ =	shalt  }
0x4c: {  	_ =	shalt  }
0x4d: {  	_ =	shalt  }
0x4e: {  	_ =	shalt  }
0x4f: {  	_ =	shalt  }
0x50: {  	_ =	shalt  }
0x51: {  	_ =	shalt  }
0x52: {  	_ =	shalt  }
0x53: {  	_ =	shalt  }
0x54: {  	_ =	shalt  }
0x55: {  	_ =	shalt  }
0x56: {  	_ =	shalt  }
0x57: {  	_ =	shalt  }
0x58: {  	_ =	shalt  }
0x59: {  	_ =	shalt  }
0x5a: {  	_ =	shalt  }
0x5b: {  	_ =	shalt  }
0x5c: {  	_ =	shalt  }
0x5d: {  	_ =	shalt  }
0x5e: {  	_ =	shalt  }
0x5f: {  	_ =	shalt  }
0x60: {  	_ =	shalt  }
0x61: {  	_ =	shalt  }
0x62: {  	_ =	shalt  }
0x63: {  	_ =	shalt  }
0x64: {  	_ =	shalt  }
0x65: {  	_ =	shalt  }
0x66: {  	_ =	shalt  }
0x67: {  	_ =	shalt  }
0x68: {  	_ =	shalt  }
0x69: {  	_ =	shalt  }
0x6a: {  	_ =	shalt  }
0x6b: {  	_ =	shalt  }
0x6c: {  	_ =	shalt  }
0x6d: {  	_ =	shalt  }
0x6e: {  	_ =	shalt  }
0x6f: {  	_ =	shalt  }
0x70: {  	_ =	shalt  }
0x71: {  	_ =	shalt  }
0x72: {  	_ =	shalt  }
0x73: {  	_ =	shalt  }
0x74: {  	_ =	shalt  }
0x75: {  	_ =	shalt  }
0x76: {  	_ =	shalt  }
0x77: {  	_ =	shalt  }
0x78: {  	_ =	shalt  }
0x79: {  	_ =	shalt  }
0x7a: {  	_ =	shalt  }
0x7b: {  	_ =	shalt  }
0x7c: {  	_ =	shalt  }
0x7d: {  	_ =	shalt  }
0x7e: {  	_ =	shalt  }
0x7f: {  	_ =	shalt  }
0x80: {  	_ =	shalt  }
0x81: {  	_ =	shalt  }
0x82: {  	_ =	shalt  }
0x83: {  	_ =	shalt  }
0x84: {  	_ =	shalt  }
0x85: {  	_ =	shalt  }
0x86: {  	_ =	shalt  }
0x87: {  	_ =	shalt  }
.Lfunc_end0:
.L_simem_size_0:
called_computation_lowered:
.L_overlay_start_0:
0x88: {  	s2 =	sld [smem:$0x3FD9]  }
0x89: {  	s3 =	sld [smem:$0x3FFE];
	_ =	sdelay $0x1  }
0x8a: {  	s1 =	srdreg.scid  }
0x8b: {  	s0 =	sand.u32 $0x1, s1  }
0x8c: {  	s17 =	sshll.u32 s0, $0xA;
	s2 =	sadd.s32 s3, s2  }
0x8d: {  	s2 =	sadd.s32 s2, s17  }
0x8e: {  	[smem:$0x3FC0] =	sst s2  }
0x8f: {  	_ = 	snop  }
0x90: {  	s2 =	sld [smem:$0x3FD0];
	(tm) =	ssettm $0x1  }
0x91: {  	s18 =	sld [smem:$0x3FFB];
	_ =	sdelay $0x3  }
0x92: {  	_ =	strace s18  }
0x93: {  	s3 =	sld [smem:$0x3FFC];
	_ =	sdelay $0x3  }
0x94: {  	_ =	strace s3  }
0x95: {  	s3 =	sld [smem:$0x3FFD];
	_ =	sdelay $0x3  }
0x96: {  	_ =	strace s3  }
0x97: {  	_ =	strace $0x8FFFFFFF  }
0x98: {  	s19 =	sld [smem:$0x3FDB];
	_ =	sdelay $0x1  }
0x99: {  	s4 =	simm.s32 $_scs_section_size  }
0x9a: {  	s5 =	simm.s32 $_size__tile_overlayer_lowered;
	s6 =	simm.s32 $_tile_overlayer_lowered  }
0x9b: {  	s22 =	simm.s32 $0x1BFF;
	s21 =	sshll.u32 s6, $0x1;
	s3 =	sadd.s32 s4, s19  }
0x9c: {  	s7 =	simm.s32 $0x0;
	s20 =	sshll.u32 s5, $0x1;
	s5 =	sadd.s32 s21, s3  }
0x9d: {  	[timem:s7], [sflag:s22] =	dma.local [hbm:s5], s20  }
0x9e: {  	_ =	swait.ge [sflag:s22], s20  }
0x9f: {  	s4 =	ssub.s32 $0x0, s20;
	[sflag:s22] =	ssyncset.done $0x0  }
0xa0: {  	[sflag:s22] =	ssyncadd.s32 s4;
	_ =	sdelay $0x1  }
0xa1: {  	s23 =	simm.s32 $0x1B8B  }
0xa2: {  	_ =	swait.ge [sflag:s23], $0x1  }
0xa3: {  	[sflag:s23] =	ssyncset.done $0x0  }
0xa4: {  	s25 =	simm.s32 $0x1B8E;
	s24 =	sld [smem:$0x3FFE];
	[sflag:s23] =	ssyncadd.s32 $0xFFFFFFFF  }
0xa5: {  	s26 =	simm.s32 $execute0_lowered;
	[smem:$0x3FD2] =	sst s25  }
0xa6: {  	s5 =	sshll.u32 s26, $0x1;
	_ =	strace $0x80000046;
	[dreg:$0x1] =	wrdreg $0xFFFFFFFF  }
0xa7: {  	s28 =	simm.s32 $_size_execute0_lowered;
	s3 =	sadd.s32 s3, s5;
	[dreg:$0x0] =	wrdreg $0x0  }
0xa8: {  	s5 =	sshll.u32 s28, $0x1;
	[dreg:$0x2] =	wrdreg s3  }
0xa9: {  	[dreg:$0x3] =	wrdreg s5  }
0xaa: {  	[dreg:$0x4] =	wrdreg $0xC0  }
0xab: {  	_ =	task [dreg:s7], $0x5FFFF  }
0xac: {  	[dreg:$0x1] =	wrdreg $0xFFFFFFFF  }
0xad: {  	[dreg:$0x0] =	wrdreg $0x60  }
0xae: {  	[dreg:$0x2] =	wrdreg s24  }
0xaf: {  	[dreg:$0x3] =	wrdreg s2  }
0xb0: {  	[dreg:$0x4] =	wrdreg $0x0  }
0xb1: {  	[dreg:$0x5] =	wrdreg $0x1C2000  }
0xb2: {  	[dreg:$0x6] =	wrdreg $0x9  }
0xb3: {  	_ =	task.clear_ibuf [dreg:s7], $0x7FFFF;
	_ =	strace $0x90000046  }
0xb4: {  	s29 =	simm.s32 $0x9;
	_ =	strace $0x80000048  }
0xb5: {  	_ =	swait.ge [sflag:s29], $0x1  }
0xb6: {  	[sflag:s29] =	ssyncadd.s32 $0xFFFFFFFF  }
0xb7: {  	_ =	strace $0x90000048  }
0xb8: {  	_ =	sfence  }
0xb9: {  	s30 =	sld [smem:$0x0];
	_ =	sdelay $0x2  }
0xba: {  	s31 =	sshll.u32 s1, $0xD;
	s1 =	sshrl.u32 s1, $0x2  }
0xbb: {  	s3 =	sand.u32 $0x4000, s31;
	s1 =	sadd.s32 s1, s30  }
0xbc: {  	s0 =	sor.u32 s3, s0;
	s1 =	sshll.u32 s1, $0x11  }
0xbd: {  	s0 =	sor.u32 s1, s0  }
0xbe: {  	s0 =	sadd.s32 $0x8F2B, s0  }
0xbf: {  	[sflag:s0] =	ssyncadd.remote.s32 $0x1  }
0xc0: {  	_ =	sfence.sel $0xFFFF  }
0xc1: {  	[dreg:$0x0] =	wrdreg $0xFFFFFFFF;
	(pc) =	sbr.abs _section_cstart, $3  }
0xc2: {  	[dreg:$0x1] =	wrdreg $0xFFFFFFFF  }
0xc3: {  	_ =	task.clear_ibuf [dreg:s7], $0x2FFFF;
	_ =	strace $0x9FFFFFFF  }
0xc4: {  	(tm) =	ssettm $0x7FFFFFFF  }
0xc5: {  	_ =	shalt  }
tec
execute0_lowered:
.L_overlay_start_1:
0x0: {  	(tag) =	ssettag $0x1  }
0x1: {  	s0 =	rddreg [dreg:$0x0]  }
0x2: {  	s1 =	rddreg [dreg:$0x1];
	s16 =	stileid.u32  }
0x3: {  	s2 =	rddreg [dreg:$0x2];
	s7 =	smul.u32 $0x280, s16  }
0x4: {  	s3 =	rddreg [dreg:$0x3];
	s9 =	smul.u32 $0x26, s16  }
0x5: {  	s5 =	srdreg.scid;
	s4 =	simm.s32 $0x0;
	s14 =	smul.u32 $0x7A, s16  }
0x6: {  	s6 =	sand.u32 $0x1, s5;
	[smem:$0x7FF] =	sst s4;
	s15 =	smul.u32 $0x50000, s16  }
0x7: {  	s5 =	sadd.s32 $0xC200, s0;
	s10 =	sadd.s32 $0x2000, s0;
	s21 =	smul.u32 $0xA00, s16  }
0x8: {  	s12 =	sadd.s32 $0x34C00, s0;
	s8 =	smul.u32 $0x2800, s6;
	_ =	strace $0x80000047  }
0x9: {  	p0 =	seq.s32 s6, $0x0;
	s6 =	ssub.s32 $0x2, s6;
	s9 =	sadd.s32 $0x7A0, s9  }
0xa: {  	s26 =	sshrl.u32 s6, $0x1;
	s28 =	sshrl.u32 s15, $0x2;
	s19 =	sadd.s32 $0x80, s7  }
0xb: {  	s25 =	sadd.s32 $0x100, s7;
	s11 =	sadd.s32 s7, s8;
	s14 =	smov.u32 @p0 s9  }
0xc: {  	s29 =	ssub.s32 s6, s26;
	s6 =	sadd.s32 s28, s2;
	s9 =	simm.s32 $0x13  }
0xd: {  	s22 =	sadd.s32 s8, s19;
	s26 =	sadd.s32 $0x180, s7;
	s28 =	sadd.s32 s8, s25  }
0xe: {  	s13 =	sshrl.u32 s11, $0x3;
	s14 =	sshll.u32 s14, $0x4;
	s9 =	simm.s32 @!p0 $0x3D  }
0xf: {  	s20 =	sshll.u32 s11, $0x4;
	s23 =	smax.u32 s29, $0x1;
	s24 =	sshll.u32 s22, $0x4  }
0x10: {  	s11 =	sshrl.u32 s21, $0x2;
	s29 =	sadd.s32 s8, s26;
	s16 =	sshll.u32 s26, $0x7  }
0x11: {  	s0 =	sadd.s32 s13, s0;
	s17 =	sadd.s32 s1, s14;
	s18 =	sadd.s32 s10, s14  }
0x12: {  	s30 =	sor.u32 $0x10, s14;
	[dreg:$0xa] =	wrdreg s23;
	s15 =	sshll.u32 s29, $0x4  }
0x13: {  	s23 =	sadd.s32 $0x8000, s6;
	s13 =	simm.s32 $0x14100;
	s1 =	sadd.s32 s1, s30  }
0x14: {  	s14 =	sadd.s32 s10, s30;
	s0 =	sadd.s32 $0x34200, s0;
	[dreg:$0x15] =	wrdreg s23  }
0x15: {  	s10 =	sadd.s32 s12, s20;
	s30 =	sadd.s32 s12, s15;
	[dreg:$0x5] =	wrdreg s18  }
0x16: {  	s20 =	sadd.s32 s11, s3;
	s15 =	sshll.u32 s25, $0x7;
	[dreg:$0x6] =	wrdreg s1  }
0x17: {  	s25 =	sadd.s32 $0x10000, s6;
	s31 =	sadd.s32 $0x30, s18;
	[dreg:$0x7] =	wrdreg s14  }
0x18: {  	s11 =	sadd.s32 $0x30, s17;
	s18 =	simm.s32 $0x4;
	[dreg:$0x8] =	wrdreg s0  }
0x19: {  	s23 =	simm.s32 $0x1C480;
	s0 =	sadd.s32 s7, s3;
	[dreg:$0x9] =	wrdreg s10  }
0x1a: {  	s1 =	sshll.u32 s19, $0x7;
	s10 =	sadd.s32 s12, s24;
	[dreg:$0xd] =	wrdreg s30  }
0x1b: {  	s7 =	sadd.s32 $0x200, s7;
	s14 =	sshll.u32 s28, $0x4;
	[dreg:$0x17] =	wrdreg s25  }
0x1c: {  	s24 =	sadd.s32 $0xC000, s6;
	s26 =	sadd.s32 $0x80, s20;
	[dreg:$0xb] =	wrdreg s10  }
0x1d: {  	s28 =	sadd.s32 $0x100, s20;
	s29 =	sadd.s32 $0x180, s20;
	[dreg:$0x16] =	wrdreg s24  }
0x1e: {  	s30 =	sadd.s32 $0x200, s20;
	s25 =	simm.s32 $0x6;
	[dreg:$0x18] =	wrdreg s26  }
0x1f: {  	s8 =	sadd.s32 s8, s7;
	s14 =	sadd.s32 s12, s14;
	[dreg:$0x19] =	wrdreg s28  }
0x20: {  	s1 =	sadd.s32 s1, s2;
	s7 =	sshll.u32 s7, $0x7;
	[dreg:$0x1a] =	wrdreg s29  }
0x21: {  	s10 =	sadd.s32 s16, s2;
	s0 =	sshrl.u32 s0, $0x3;
	[dreg:$0x1b] =	wrdreg s30  }
0x22: {  	s16 =	simm.s32 $0x3;
	s24 =	simm.s32 $0x2;
	[dreg:$0xc] =	wrdreg s14  }
0x23: {  	s26 =	simm.s32 $0x0;
	s14 =	sadd.s32 $0x4000, s6;
	[dreg:$0x14] =	wrdreg s0  }
0x24: {  	s8 =	sshll.u32 s8, $0x4;
	s1 =	sshrl.u32 s1, $0x3;
	[dreg:$0xf] =	wrdreg s14  }
0x25: {  	s7 =	sadd.s32 s7, s2;
	s21 =	sshrl.u32 s10, $0x3;
	[dreg:$0x10] =	wrdreg s1  }
0x26: {  	s8 =	sadd.s32 s12, s8;
	[dreg:$0x12] =	wrdreg s21;
	s22 =	sshrl.u32 s7, $0x3  }
0x27: {  	s1 =	smov.u32 s17;
	s12 =	simm.s32 $0x14200;
	s7 =	simm.s32 $0x7  }
0x28: {  	s14 =	simm.s32 $0x14080;
	s17 =	simm.s32 $0x80;
	[dreg:$0xe] =	wrdreg s8  }
0x29: {  	s21 =	simm.s32 $0x1;
	s8 =	sadd.s32 s15, s2;
	[dreg:$0x13] =	wrdreg s22  }
0x2a: {  	s15 =	simm.s32 $0x14180;
	s22 =	simm.s32 $0x5;
	s19 =	sshrl.u32 s8, $0x3  }
0x2b: {  	v0 =	vimm.f32 $0.0e+00;
	v1 =	vimm.f32 $1.000000000e+00;
	s8 =	simm.s32 $0x14000;
	[dreg:$0x11] =	wrdreg s19;
	s19 =	simm.s32 $0x18200  }
.LBB2_1:
0x2c: {  	s10 =	simm.s32 $0x0;
	s28 =	simm.s32 $0x200  }
.LBB2_2:
0x2d: {  	p0 =	sne.s32 s28, $0xFE00;
	[tilespmem:s10+$0x14270] =	vst v0  }
0x2e: {  	[tilespmem:s10+$0x14200] =	vst v0  }
0x2f: {  	[tilespmem:s10+$0x14210] =	vst v0  }
.Ltmp0:
0x30: {  	[tilespmem:s10+$0x14220] =	vst v0;
	(pc) =	sbr.rel @p0 .LBB2_2-.Ltmp0, $4  }
0x31: {  	[tilespmem:s10+$0x14230] =	vst v0  }
0x32: {  	[tilespmem:s10+$0x14240] =	vst v0  }
0x33: {  	[tilespmem:s10+$0x14250] =	vst v0  }
0x34: {  	[tilespmem:s10+$0x14260] =	vst v0;
	s10 =	sshra.s32 s28, $0x2;
	s28 =	sadd.s32 $0x200, s28  }
0x35: {  	[tilespmem:s10+$0x14270] =	vst v0  }
0x36: {  	[tilespmem:s10+$0x14200] =	vst v0  }
0x37: {  	[tilespmem:s10+$0x14210] =	vst v0  }
0x38: {  	[tilespmem:s10+$0x14220] =	vst v0  }
0x39: {  	[tilespmem:s10+$0x14230] =	vst v0  }
0x3a: {  	[tilespmem:s10+$0x14240] =	vst v0  }
0x3b: {  	[tilespmem:s10+$0x14250] =	vst v0  }
0x3c: {  	[tilespmem:s10+$0x14260] =	vst v0  }
0x3d: {  	[spmem:s6] =	stream.linear.scatter [tilespmem:s12], [sflag:$0x7], $0x4000, $0x38;
	[tilespmem:$0x1C500] =	vst v63  }
0x3e: {  	_ =	swait.ge [sflag:s7], $0x4000  }
0x3f: {  	[sflag:s7] =	ssyncset.done $0x0  }
0x40: {  	s0 =	rddreg [dreg:$0xf];
	[sflag:s7] =	ssyncadd.s32 $0xFFFFC000  }
0x41: {  	[spmem:s0] =	stream.linear.scatter [tilespmem:s12], [sflag:$0x7], $0x4000, $0x38;
	[tilespmem:$0x1C500] =	vst v63  }
0x42: {  	_ =	swait.ge [sflag:s7], $0x4000  }
0x43: {  	[sflag:s7] =	ssyncset.done $0x0  }
0x44: {  	s10 =	rddreg [dreg:$0x15];
	[sflag:s7] =	ssyncadd.s32 $0xFFFFC000  }
0x45: {  	[spmem:s10] =	stream.linear.scatter [tilespmem:s12], [sflag:$0x7], $0x4000, $0x38;
	[tilespmem:$0x1C500] =	vst v63  }
0x46: {  	_ =	swait.ge [sflag:s7], $0x4000  }
0x47: {  	[sflag:s7] =	ssyncset.done $0x0  }
0x48: {  	s10 =	rddreg [dreg:$0x16];
	[sflag:s7] =	ssyncadd.s32 $0xFFFFC000  }
0x49: {  	[spmem:s10] =	stream.linear.scatter [tilespmem:s12], [sflag:$0x7], $0x4000, $0x38;
	[tilespmem:$0x1C500] =	vst v63  }
0x4a: {  	_ =	swait.ge [sflag:s7], $0x4000  }
0x4b: {  	[sflag:s7] =	ssyncset.done $0x0  }
0x4c: {  	s10 =	rddreg [dreg:$0x17];
	[sflag:s7] =	ssyncadd.s32 $0xFFFFC000  }
0x4d: {  	[spmem:s10] =	stream.linear.scatter [tilespmem:s12], [sflag:$0x7], $0x4000, $0x38;
	[tilespmem:$0x1C500] =	vst v63  }
0x4e: {  	_ =	swait.ge [sflag:s7], $0x4000  }
0x4f: {  	[sflag:s7] =	ssyncset.done $0x0  }
0x50: {  	[sflag:s7] =	ssyncadd.s32 $0xFFFFC000  }
0x51: {  	[tilespmem:$0x1C480] =	vst v1  }
0x52: {  	[tilespmem:$0x1C490] =	vst v1  }
0x53: {  	[tilespmem:$0x1C4A0] =	vst v1  }
0x54: {  	[tilespmem:$0x1C4B0] =	vst v1  }
0x55: {  	[tilespmem:$0x1C4C0] =	vst v1  }
0x56: {  	[tilespmem:$0x1C4D0] =	vst v1  }
0x57: {  	[tilespmem:$0x1C4E0] =	vst v1  }
0x58: {  	[tilespmem:$0x1C4F0] =	vst v1  }
0x59: {  	[spmem:s20] =	stream.linear.scatter [tilespmem:s12], [sflag:$0x7], $0x80, $0x38;
	[tilespmem:$0x1C500] =	vst v63  }
0x5a: {  	_ =	swait.ge [sflag:s7], $0x80  }
0x5b: {  	[sflag:s7] =	ssyncset.done $0x0  }
0x5c: {  	s10 =	rddreg [dreg:$0x18];
	[sflag:s7] =	ssyncadd.s32 $0xFFFFFF80  }
0x5d: {  	[spmem:s10] =	stream.linear.scatter [tilespmem:s12], [sflag:$0x7], $0x80, $0x38;
	[tilespmem:$0x1C500] =	vst v63  }
0x5e: {  	_ =	swait.ge [sflag:s7], $0x80  }
0x5f: {  	[sflag:s7] =	ssyncset.done $0x0  }
0x60: {  	s10 =	rddreg [dreg:$0x19];
	[sflag:s7] =	ssyncadd.s32 $0xFFFFFF80  }
0x61: {  	[spmem:s10] =	stream.linear.scatter [tilespmem:s12], [sflag:$0x7], $0x80, $0x38;
	[tilespmem:$0x1C500] =	vst v63  }
0x62: {  	_ =	swait.ge [sflag:s7], $0x80  }
0x63: {  	[sflag:s7] =	ssyncset.done $0x0  }
0x64: {  	s10 =	rddreg [dreg:$0x1a];
	[sflag:s7] =	ssyncadd.s32 $0xFFFFFF80  }
0x65: {  	[spmem:s10] =	stream.linear.scatter [tilespmem:s12], [sflag:$0x7], $0x80, $0x38;
	[tilespmem:$0x1C500] =	vst v63  }
0x66: {  	_ =	swait.ge [sflag:s7], $0x80  }
0x67: {  	[sflag:s7] =	ssyncset.done $0x0  }
0x68: {  	s10 =	rddreg [dreg:$0x1b];
	[sflag:s7] =	ssyncadd.s32 $0xFFFFFF80  }
0x69: {  	[spmem:s10] =	stream.linear.scatter [tilespmem:s12], [sflag:$0x7], $0x80, $0x38;
	[tilespmem:$0x1C500] =	vst v63  }
0x6a: {  	_ =	swait.ge [sflag:s7], $0x80  }
0x6b: {  	[sflag:s7] =	ssyncset.done $0x0  }
0x6c: {  	[sflag:s7] =	ssyncadd.s32 $0xFFFFFF80  }
0x6d: {  	[bflag:$0x0] =	sbarrier.arrive $0xFFFF  }
0x6e: {  	[tilespmem:s8], [sflag:$0x3] =	stream.linear.gather [hbm4b:s1+s4], $0x80, $0x38;
	[tilespmem:$0x1C500] =	vst v63  }
0x6f: {  	s10 =	rddreg [dreg:$0x5]  }
0x70: {  	[tilespmem:s13], [sflag:$0x5] =	stream.linear.gather [hbm4b:s10+s4], $0x80, $0x38;
	[tilespmem:$0x1C500] =	vst v63  }
0x71: {  	s10 =	rddreg [dreg:$0x6]  }
0x72: {  	[tilespmem:s14], [sflag:$0x4] =	stream.linear.gather [hbm4b:s10+s4], $0x80, $0x38;
	[tilespmem:$0x1C500] =	vst v63  }
0x73: {  	s10 =	rddreg [dreg:$0x7]  }
0x74: {  	[tilespmem:s15], [sflag:$0x6] =	stream.linear.gather [hbm4b:s10+s4], $0x80, $0x38;
	[tilespmem:$0x1C500] =	vst v63  }
0x75: {  	_ =	swait.ge [sflag:s16], $0x80  }
0x76: {  	[sflag:s16] =	ssyncset.done $0x0  }
0x77: {  	[sflag:s16] =	ssyncadd.s32 $0xFFFFFF80  }
0x78: {  	[tilespmem:s12], [sflag:$0x1] =	stream.indirect.gather [hbm4b:s5+s17], $0x80, s8, s17, $0xb8;
	[tilespmem:$0x1C500] =	vst v63  }
0x79: {  	_ =	swait.ge [sflag:s18], $0x80  }
0x7a: {  	[sflag:s18] =	ssyncset.done $0x0  }
0x7b: {  	[sflag:s18] =	ssyncadd.s32 $0xFFFFFF80  }
0x7c: {  	[tilespmem:s19], [sflag:$0x2] =	stream.indirect.gather [hbm4b:s5+s17], $0x80, s14, s17, $0xb8;
	[tilespmem:$0x1C500] =	vst v63  }
0x7d: {  	_ =	swait.ge [sflag:s21], $0x4000  }
0x7e: {  	[sflag:s21] =	ssyncset.done $0x0  }
0x7f: {  	s0 =	sadd.s32 $0xFFFFFFF0, s11;
	[sflag:s21] =	ssyncadd.s32 $0xFFFFC000  }
0x80: {  	[tilespmem:s8], [sflag:$0x3] =	stream.linear.gather [hbm4b:s0+s4], $0x80, $0x38;
	[tilespmem:$0x1C500] =	vst v63  }
0x81: {  	_ =	swait.ge [sflag:s22], $0x80  }
0x82: {  	[sflag:s22] =	ssyncset.done $0x0  }
0x83: {  	[sflag:s22] =	ssyncadd.s32 $0xFFFFFF80  }
0x84: {  	[spmem:s2] =	stream.indirect.scatter.add.f32 [tilespmem:s12], [sflag:$0x7], $0x80, s13, s17, $0xb8;
	[tilespmem:$0x1C500] =	vst v63  }
0x85: {  	_ =	swait.ge [sflag:s7], $0x4000  }
0x86: {  	[sflag:s7] =	ssyncset.done $0x0  }
0x87: {  	[sflag:s7] =	ssyncadd.s32 $0xFFFFC000  }
0x88: {  	[spmem:s3] =	stream.indirect.scatter.add.f32 [tilespmem:s23], [sflag:$0x7], $0x1, s13, s17, $0xb8;
	[tilespmem:$0x1C500] =	vst v63  }
0x89: {  	_ =	swait.ge [sflag:s7], $0x80  }
0x8a: {  	[sflag:s7] =	ssyncset.done $0x0  }
0x8b: {  	s0 =	sadd.s32 $0xFFFFFFF0, s31;
	[sflag:s7] =	ssyncadd.s32 $0xFFFFFF80  }
0x8c: {  	[tilespmem:s13], [sflag:$0x5] =	stream.linear.gather [hbm4b:s0+s4], $0x80, $0x38;
	[tilespmem:$0x1C500] =	vst v63  }
0x8d: {  	_ =	swait.ge [sflag:s16], $0x80  }
0x8e: {  	[sflag:s16] =	ssyncset.done $0x0  }
0x8f: {  	[sflag:s16] =	ssyncadd.s32 $0xFFFFFF80  }
0x90: {  	[tilespmem:s12], [sflag:$0x1] =	stream.indirect.gather [hbm4b:s5+s17], $0x80, s8, s17, $0xb8;
	[tilespmem:$0x1C500] =	vst v63  }
0x91: {  	_ =	swait.ge [sflag:s24], $0x4000  }
0x92: {  	[sflag:s24] =	ssyncset.done $0x0  }
0x93: {  	[sflag:s24] =	ssyncadd.s32 $0xFFFFC000  }
0x94: {  	[tilespmem:s14], [sflag:$0x4] =	stream.linear.gather [hbm4b:s11+s4], $0x80, $0x38;
	[tilespmem:$0x1C500] =	vst v63  }
0x95: {  	_ =	swait.ge [sflag:s25], $0x80  }
0x96: {  	[sflag:s25] =	ssyncset.done $0x0  }
0x97: {  	[sflag:s25] =	ssyncadd.s32 $0xFFFFFF80  }
0x98: {  	[spmem:s2] =	stream.indirect.scatter.add.f32 [tilespmem:s19], [sflag:$0x7], $0x80, s15, s17, $0xb8;
	[tilespmem:$0x1C500] =	vst v63  }
0x99: {  	_ =	swait.ge [sflag:s7], $0x4000  }
0x9a: {  	p0 =	sne.s32 s9, $0x1;
	[sflag:s7] =	ssyncset.done $0x0  }
.Ltmp1:
0x9b: {  	[sflag:s7] =	ssyncadd.s32 $0xFFFFC000;
	(pc) =	sbr.rel @!p0 .LBB2_5-.Ltmp1, $4  }
0x9c: {  	[spmem:s3] =	stream.indirect.scatter.add.f32 [tilespmem:s23], [sflag:$0x7], $0x1, s15, s17, $0xb8;
	[tilespmem:$0x1C500] =	vst v63  }
0x9d: {  	_ =	swait.ge [sflag:s7], $0x80  }
0x9e: {  	s28 =	sadd.s32 $0xFFFFFFFF, s9;
	s29 =	sadd.s32 $0x20, s31;
	[sflag:s7] =	ssyncset.done $0x0  }
0x9f: {  	s30 =	sadd.s32 $0x20, s11;
	s10 =	smov.u32 s31;
	[sflag:s7] =	ssyncadd.s32 $0xFFFFFF80  }
.LBB2_4:
0xa0: {  	[tilespmem:s15], [sflag:$0x6] =	stream.linear.gather [hbm4b:s10+s4], $0x80, $0x38;
	[tilespmem:$0x1C500] =	vst v63  }
0xa1: {  	p0 =	sne.s32 s28, $0x1;
	s28 =	sadd.s32 $0xFFFFFFFF, s28;
	_ =	swait.ge [sflag:s18], $0x80  }
0xa2: {  	s10 =	smov.u32 s29;
	[sflag:s18] =	ssyncset.done $0x0  }
0xa3: {  	[sflag:s18] =	ssyncadd.s32 $0xFFFFFF80  }
0xa4: {  	[tilespmem:s19], [sflag:$0x2] =	stream.indirect.gather [hbm4b:s5+s17], $0x80, s14, s17, $0xb8;
	[tilespmem:$0x1C500] =	vst v63  }
0xa5: {  	_ =	swait.ge [sflag:s21], $0x4000  }
0xa6: {  	[sflag:s21] =	ssyncset.done $0x0  }
0xa7: {  	s0 =	sadd.s32 $0xFFFFFFF0, s30;
	[sflag:s21] =	ssyncadd.s32 $0xFFFFC000  }
0xa8: {  	[tilespmem:s8], [sflag:$0x3] =	stream.linear.gather [hbm4b:s0+s4], $0x80, $0x38;
	[tilespmem:$0x1C500] =	vst v63  }
0xa9: {  	_ =	swait.ge [sflag:s22], $0x80  }
0xaa: {  	[sflag:s22] =	ssyncset.done $0x0  }
0xab: {  	[sflag:s22] =	ssyncadd.s32 $0xFFFFFF80  }
0xac: {  	[spmem:s2] =	stream.indirect.scatter.add.f32 [tilespmem:s12], [sflag:$0x7], $0x80, s13, s17, $0xb8;
	[tilespmem:$0x1C500] =	vst v63  }
0xad: {  	_ =	swait.ge [sflag:s7], $0x4000  }
0xae: {  	[sflag:s7] =	ssyncset.done $0x0  }
0xaf: {  	[sflag:s7] =	ssyncadd.s32 $0xFFFFC000  }
0xb0: {  	[spmem:s3] =	stream.indirect.scatter.add.f32 [tilespmem:s23], [sflag:$0x7], $0x1, s13, s17, $0xb8;
	[tilespmem:$0x1C500] =	vst v63  }
0xb1: {  	_ =	swait.ge [sflag:s7], $0x80  }
0xb2: {  	[sflag:s7] =	ssyncset.done $0x0  }
0xb3: {  	s0 =	sadd.s32 $0xFFFFFFF0, s29;
	[sflag:s7] =	ssyncadd.s32 $0xFFFFFF80  }
0xb4: {  	[tilespmem:s13], [sflag:$0x5] =	stream.linear.gather [hbm4b:s0+s4], $0x80, $0x38;
	[tilespmem:$0x1C500] =	vst v63  }
0xb5: {  	_ =	swait.ge [sflag:s16], $0x80  }
0xb6: {  	[sflag:s16] =	ssyncset.done $0x0  }
0xb7: {  	[sflag:s16] =	ssyncadd.s32 $0xFFFFFF80  }
0xb8: {  	[tilespmem:s12], [sflag:$0x1] =	stream.indirect.gather [hbm4b:s5+s17], $0x80, s8, s17, $0xb8;
	[tilespmem:$0x1C500] =	vst v63  }
0xb9: {  	_ =	swait.ge [sflag:s24], $0x4000  }
0xba: {  	[sflag:s24] =	ssyncset.done $0x0  }
0xbb: {  	[sflag:s24] =	ssyncadd.s32 $0xFFFFC000  }
0xbc: {  	[tilespmem:s14], [sflag:$0x4] =	stream.linear.gather [hbm4b:s30+s4], $0x80, $0x38;
	[tilespmem:$0x1C500] =	vst v63  }
0xbd: {  	_ =	swait.ge [sflag:s25], $0x80  }
0xbe: {  	[sflag:s25] =	ssyncset.done $0x0  }
0xbf: {  	[sflag:s25] =	ssyncadd.s32 $0xFFFFFF80  }
0xc0: {  	[spmem:s2] =	stream.indirect.scatter.add.f32 [tilespmem:s19], [sflag:$0x7], $0x80, s15, s17, $0xb8;
	[tilespmem:$0x1C500] =	vst v63  }
0xc1: {  	_ =	swait.ge [sflag:s7], $0x4000  }
0xc2: {  	[sflag:s7] =	ssyncset.done $0x0  }
.Ltmp2:
0xc3: {  	[sflag:s7] =	ssyncadd.s32 $0xFFFFC000;
	(pc) =	sbr.rel @p0 .LBB2_4-.Ltmp2, $4  }
0xc4: {  	[spmem:s3] =	stream.indirect.scatter.add.f32 [tilespmem:s23], [sflag:$0x7], $0x1, s15, s17, $0xb8;
	[tilespmem:$0x1C500] =	vst v63  }
0xc5: {  	_ =	swait.ge [sflag:s7], $0x80  }
0xc6: {  	[sflag:s7] =	ssyncset.done $0x0  }
0xc7: {  	s29 =	sadd.s32 $0x20, s29;
	s30 =	sadd.s32 $0x20, s30;
	[sflag:s7] =	ssyncadd.s32 $0xFFFFFF80  }
.LBB2_5:
0xc8: {  	[tilespmem:s15], [sflag:$0x6] =	stream.linear.gather [hbm4b:s10+s4], $0x80, $0x38;
	[tilespmem:$0x1C500] =	vst v63  }
0xc9: {  	_ =	swait.ge [sflag:s21], $0x4000  }
0xca: {  	[sflag:s21] =	ssyncset.done $0x0  }
0xcb: {  	[sflag:s21] =	ssyncadd.s32 $0xFFFFC000  }
0xcc: {  	_ =	swait.ge [sflag:s18], $0x80  }
0xcd: {  	[sflag:s18] =	ssyncset.done $0x0  }
0xce: {  	[sflag:s18] =	ssyncadd.s32 $0xFFFFFF80  }
0xcf: {  	_ =	swait.ge [sflag:s22], $0x80  }
0xd0: {  	[sflag:s22] =	ssyncset.done $0x0  }
0xd1: {  	[sflag:s22] =	ssyncadd.s32 $0xFFFFFF80  }
0xd2: {  	_ =	swait.ge [sflag:s25], $0x80  }
0xd3: {  	[sflag:s25] =	ssyncset.done $0x0  }
0xd4: {  	s0 =	stileid.u32;
	[sflag:s25] =	ssyncadd.s32 $0xFFFFFF80  }
0xd5: {  	s0 =	sshll.u32 s0, $0x6;
	[bflag:$0x0] =	sbarrier.arrive $0xFFFF  }
0xd6: {  	s29 =	sshrl.u32 s6, $0x3;
	s0 =	sor.u32 $0x1C07, s0;
	s28 =	rddreg [dreg:$0x9]  }
0xd7: {  	[hbm:s28], [sflag:s0] =	dma.local [spmem:s29], $0x800  }
0xd8: {  	_ =	swait.ge [sflag:s7], $0x800  }
0xd9: {  	[sflag:s7] =	ssyncset.done $0x0;
	s30 =	rddreg [dreg:$0xb]  }
0xda: {  	s29 =	rddreg [dreg:$0x10];
	[sflag:s7] =	ssyncadd.s32 $0xFFFFF800  }
0xdb: {  	[hbm:s30], [sflag:s0] =	dma.local [spmem:s29], $0x800  }
0xdc: {  	_ =	swait.ge [sflag:s7], $0x800  }
0xdd: {  	[sflag:s7] =	ssyncset.done $0x0;
	s30 =	rddreg [dreg:$0xc]  }
0xde: {  	s29 =	rddreg [dreg:$0x11];
	[sflag:s7] =	ssyncadd.s32 $0xFFFFF800  }
0xdf: {  	[hbm:s30], [sflag:s0] =	dma.local [spmem:s29], $0x800  }
0xe0: {  	_ =	swait.ge [sflag:s7], $0x800  }
0xe1: {  	[sflag:s7] =	ssyncset.done $0x0;
	s30 =	rddreg [dreg:$0xd]  }
0xe2: {  	s29 =	rddreg [dreg:$0x12];
	[sflag:s7] =	ssyncadd.s32 $0xFFFFF800  }
0xe3: {  	[hbm:s30], [sflag:s0] =	dma.local [spmem:s29], $0x800  }
0xe4: {  	_ =	swait.ge [sflag:s7], $0x800  }
0xe5: {  	[sflag:s7] =	ssyncset.done $0x0;
	s30 =	rddreg [dreg:$0xe]  }
0xe6: {  	s29 =	rddreg [dreg:$0x13];
	[sflag:s7] =	ssyncadd.s32 $0xFFFFF800  }
0xe7: {  	[hbm:s30], [sflag:s0] =	dma.local [spmem:s29], $0x800  }
0xe8: {  	_ =	swait.ge [sflag:s7], $0x800  }
0xe9: {  	[sflag:s7] =	ssyncset.done $0x0;
	s30 =	rddreg [dreg:$0x8]  }
0xea: {  	s29 =	rddreg [dreg:$0x14];
	[sflag:s7] =	ssyncadd.s32 $0xFFFFF800  }
0xeb: {  	[hbm:s30], [sflag:s0] =	dma.local [spmem:s29], $0x50  }
0xec: {  	_ =	swait.ge [sflag:s7], $0x50  }
0xed: {  	s26 =	sadd.s32 $0x1, s26;
	s30 =	rddreg [dreg:$0xa]  }
0xee: {  	p0 =	sne.s32 s26, s30  }
.Ltmp3:
0xef: {  	_ = 	snop;
	(pc) =	sbr.rel @p0 .LBB2_1-.Ltmp3, $3  }
0xf0: {  	_ =	sdelay $0x1  }
0xf1: {  	[sflag:s7] =	ssyncset.done $0x0  }
0xf2: {  	[sflag:s7] =	ssyncadd.s32 $0xFFFFFFB0  }
0xf3: {  	_ =	sfence.sel $0x180000  }
0xf4: {  	[bflag:$0x0] =	sbarrier.arrive $0xFFFF  }
0xf5: {  	_ =	strace $0x90000047  }
0xf6: {  	s0 =	stileid.u32;
	[bflag:$0x2] =	sbarrier.arrive $0xFFFF  }
0xf7: {  	p0 =	sne.s32 s0, $0x0;
	s0 =	rddreg [dreg:$0x4]  }
0xf8: {  	s0 =	sadd.s32 @!p0 $0x100000, s0  }
0xf9: {  	[sflag:s0] =	ssyncadd.tile.s32 @!p0 $0x1;
	_ =	shalt  }
.Lfunc_end2:
_tile_overlayer_lowered:
.L_overlay_start_2:
0xfa: {  	(tag) =	ssettag $0x2  }
0xfb: {  	s0 =	rddreg [dreg:$0x0];
	s2 =	stileid.u32  }
0xfc: {  	s1 =	rddreg [dreg:$0x1];
	p0 =	sne.s32 s2, $0x0  }
0xfd: {  	s3 =	rddreg [dreg:$0x2];
	[bflag:$0x3] =	sbarrier.arrive $0xFFFF;
	s2 =	simm.s32 @!p0 $0x1C07  }
0xfe: {  	[timem:s3], [sflag:s2] =	dma.local @!p0 [hbm:s0], s1  }
0xff: {  	s0 =	simm.s32 @!p0 $0x7  }
0x100: {  	_ =	swait.ge @!p0 [sflag:s0], s1  }
0x101: {  	s1 =	ssub.s32 @!p0 $0x0, s1;
	[sflag:s0] =	ssyncset.done @!p0 $0x0  }
0x102: {  	[sflag:s0] =	ssyncadd.s32 @!p0 s1  }
0x103: {  	[bflag:$0x3] =	sbarrier.arrive $0xFFFF  }
0x104: {  	_ =	shalt  }

// kernel: kernel.9.cloned.1.call-start
scs
__scs_entry_jumppad:
0x0: {  	(pc) =	sbr.rel $0x88, $3  }
0x1: {  	(tag) =	ssettag $0x0;
	lr =	simm.s32 $0x1  }
0x2: {  	[smem:$0x3F99] =	sst lr;
	_ =	strace $0xD0000000  }
0x3: {  	_ = 	snop  }
0x4: {  	_ = 	snop  }
0x5: {  	_ = 	snop  }
0x6: {  	_ = 	snop  }
0x7: {  	_ = 	snop  }
__scs_overlays_trampoline_lowered:
0x8: {  	[smem:$0x3FA8] =	sst s0  }
0x9: {  	[smem:$0x3FA9] =	sst s1  }
0xa: {  	[smem:$0x3FAA] =	sst s2  }
0xb: {  	[smem:$0x3FAB] =	sst s3  }
0xc: {  	[smem:$0x3FAC] =	sst s4  }
0xd: {  	[smem:$0x3FAD] =	sst s5  }
0xe: {  	[smem:$0x3FAE] =	sst s6  }
0xf: {  	[smem:$0x3FAF] =	sst s7  }
0x10: {  	[smem:$0x3FB0] =	sst s8  }
0x11: {  	[smem:$0x3FB1] =	sst s9;
	s0 =	simm.s32 @!p0 $0x0  }
0x12: {  	s1 =	sld [smem:$0x3F97];
	s0 =	simm.s32 @p0 $0x1  }
0x13: {  	[smem:$0x3FB2] =	sst s0;
	s0 =	simm.s32 @!p1 $0x0  }
0x14: {  	s2 =	sld [smem:$0x3F96];
	s0 =	simm.s32 @p1 $0x1  }
0x15: {  	[smem:$0x3FB3] =	sst s0;
	s0 =	simm.s32 @!p2 $0x0  }
0x16: {  	s3 =	sld [smem:$0x3FDB];
	s0 =	simm.s32 @p2 $0x1  }
0x17: {  	s4 =	simm.s32 $0x1BF5;
	[smem:$0x3FB5] =	sst s0  }
0x18: {  	s0 =	sld [smem:$0x3F98];
	_ =	swait.ge [sflag:s4], $0x0  }
0x19: {  	s7 =	sld [smem:$0x3F99]  }
0x1a: {  	s8 =	sadd.s32 $0xFFFFE003, lr  }
0x1b: {  	s9 =	sadd.s32 $0xFFFFFEF7, lr;
	s5 =	simm.s32 $0xFFFFFFFF;
	p2 =	slt.u32 s8, $0xFFFFF086  }
0x1c: {  	p1 =	slt.u32 s9, $0xF7A;
	s5 =	simm.s32 @!p2 $0x0  }
0x1d: {  	s5 =	simm.s32 @p1 $0x1;
	p0 =	seq.s32 s7, s2  }
0x1e: {  	s7 =	smul.u32 @!p0 $0xF7A, s2;
	p2 =	seq.s32 @!p0 s5, $0x0  }
0x1f: {  	s9 =	smul.u32 $0xF7A, s1;
	s8 =	simm.s32 @!p0 $0x1BF5;
	p2 =	por !p2, p0  }
0x20: {  	[sflag:s8] =	ssyncset.s32 @!p0 $0xFFFFF086;
	s6 =	sadd.s32 @!p0 s3, s7;
	s7 =	simm.s32 @!p0 $0x108  }
0x21: {  	s3 =	sadd.s32 s3, s9;
	s6 =	sadd.s32 @!p0 $0x88, s6;
	s7 =	simm.s32 @p2 $0x1082  }
0x22: {  	[simem:s7], [sflag:s8] =	dma.local @!p0 [hbm:s6], $0xF7A  }
0x23: {  	s9 =	sor.u32 $0xD0000000, s2;
	s6 =	simm.s32 $0x108;
	_ =	swait.ge @!p0 [sflag:s8], $0x0  }
0x24: {  	s3 =	sadd.s32 $0x88, s3;
	s6 =	simm.s32 @!p1 $0x1082;
	[sflag:s4] =	ssyncset.s32 $0xFFFFF086  }
0x25: {  	[simem:s6], [sflag:s4] =	dma.local [hbm:s3], $0xF7A  }
0x26: {  	[smem:$0x3F99] =	sst s1;
	(tag) =	ssettag s2;
	_ =	strace s9  }
0x27: {  	s1 =	sld [smem:$0x3FA9]  }
0x28: {  	s2 =	sld [smem:$0x3FAA]  }
0x29: {  	s4 =	sld [smem:$0x3FAC]  }
0x2a: {  	p0 =	seq.s32 s5, $0x0;
	s5 =	sld [smem:$0x3FAD]  }
0x2b: {  	s6 =	sld [smem:$0x3FAE]  }
0x2c: {  	s7 =	sld [smem:$0x3FAF]  }
0x2d: {  	s3 =	simm.s32 $0x108;
	s8 =	sld [smem:$0x3FB0]  }
0x2e: {  	s3 =	simm.s32 @!p0 $0x1082;
	s9 =	sld [smem:$0x3FB1]  }
0x2f: {  	lr =	sadd.s32 s0, s3;
	s0 =	sld [smem:$0x3FA8]  }
0x30: {  	s3 =	sld [smem:$0x3FAB]  }
0x31: {  	[smem:$0x3FB4] =	sst s10  }
0x32: {  	s10 =	sld [smem:$0x3FB2];
	_ =	sdelay $0x3  }
0x33: {  	p0 =	seq.s32 s10, $0x1;
	s10 =	sld [smem:$0x3FB4];
	_ =	sdelay $0x3  }
0x34: {  	[smem:$0x3FB4] =	sst s10  }
0x35: {  	s10 =	sld [smem:$0x3FB3];
	_ =	sdelay $0x3  }
0x36: {  	p1 =	seq.s32 s10, $0x1;
	s10 =	sld [smem:$0x3FB4];
	_ =	sdelay $0x3  }
0x37: {  	[smem:$0x3FB4] =	sst s10  }
0x38: {  	s10 =	sld [smem:$0x3FB5]  }
0x39: {  	_ = 	snop;
	(pc) =	sbr.ind lr, $3  }
0x3a: {  	_ = 	snop  }
0x3b: {  	_ = 	snop  }
0x3c: {  	p2 =	seq.s32 s10, $0x1;
	s10 =	sld [smem:$0x3FB4]  }
0x3d: {  	_ =	shalt  }
0x3e: {  	_ =	shalt  }
0x3f: {  	_ =	shalt  }
0x40: {  	_ =	shalt  }
0x41: {  	_ =	shalt  }
0x42: {  	_ =	shalt  }
0x43: {  	_ =	shalt  }
0x44: {  	_ =	shalt  }
0x45: {  	_ =	shalt  }
0x46: {  	_ =	shalt  }
0x47: {  	_ =	shalt  }
0x48: {  	_ =	shalt  }
0x49: {  	_ =	shalt  }
0x4a: {  	_ =	shalt  }
0x4b: {  	_ =	shalt  }
0x4c: {  	_ =	shalt  }
0x4d: {  	_ =	shalt  }
0x4e: {  	_ =	shalt  }
0x4f: {  	_ =	shalt  }
0x50: {  	_ =	shalt  }
0x51: {  	_ =	shalt  }
0x52: {  	_ =	shalt  }
0x53: {  	_ =	shalt  }
0x54: {  	_ =	shalt  }
0x55: {  	_ =	shalt  }
0x56: {  	_ =	shalt  }
0x57: {  	_ =	shalt  }
0x58: {  	_ =	shalt  }
0x59: {  	_ =	shalt  }
0x5a: {  	_ =	shalt  }
0x5b: {  	_ =	shalt  }
0x5c: {  	_ =	shalt  }
0x5d: {  	_ =	shalt  }
0x5e: {  	_ =	shalt  }
0x5f: {  	_ =	shalt  }
0x60: {  	_ =	shalt  }
0x61: {  	_ =	shalt  }
0x62: {  	_ =	shalt  }
0x63: {  	_ =	shalt  }
0x64: {  	_ =	shalt  }
0x65: {  	_ =	shalt  }
0x66: {  	_ =	shalt  }
0x67: {  	_ =	shalt  }
0x68: {  	_ =	shalt  }
0x69: {  	_ =	shalt  }
0x6a: {  	_ =	shalt  }
0x6b: {  	_ =	shalt  }
0x6c: {  	_ =	shalt  }
0x6d: {  	_ =	shalt  }
0x6e: {  	_ =	shalt  }
0x6f: {  	_ =	shalt  }
0x70: {  	_ =	shalt  }
0x71: {  	_ =	shalt  }
0x72: {  	_ =	shalt  }
0x73: {  	_ =	shalt  }
0x74: {  	_ =	shalt  }
0x75: {  	_ =	shalt  }
0x76: {  	_ =	shalt  }
0x77: {  	_ =	shalt  }
0x78: {  	_ =	shalt  }
0x79: {  	_ =	shalt  }
0x7a: {  	_ =	shalt  }
0x7b: {  	_ =	shalt  }
0x7c: {  	_ =	shalt  }
0x7d: {  	_ =	shalt  }
0x7e: {  	_ =	shalt  }
0x7f: {  	_ =	shalt  }
0x80: {  	_ =	shalt  }
0x81: {  	_ =	shalt  }
0x82: {  	_ =	shalt  }
0x83: {  	_ =	shalt  }
0x84: {  	_ =	shalt  }
0x85: {  	_ =	shalt  }
0x86: {  	_ =	shalt  }
0x87: {  	_ =	shalt  }
.Lfunc_end0:
.L_simem_size_0:
called_computation.1_lowered:
.L_overlay_start_0:
0x88: {  	s2 =	sld [smem:$0x3FD9]  }
0x89: {  	s3 =	sld [smem:$0x3FFE];
	_ =	sdelay $0x1  }
0x8a: {  	s1 =	srdreg.scid  }
0x8b: {  	s0 =	sand.u32 $0x1, s1  }
0x8c: {  	s17 =	sshll.u32 s0, $0xA;
	s2 =	sadd.s32 s3, s2  }
0x8d: {  	s2 =	sadd.s32 s2, s17  }
0x8e: {  	[smem:$0x3FC0] =	sst s2  }
0x8f: {  	_ = 	snop  }
0x90: {  	s2 =	sld [smem:$0x3FD0];
	(tm) =	ssettm $0x1  }
0x91: {  	s18 =	sld [smem:$0x3FFB];
	_ =	sdelay $0x3  }
0x92: {  	_ =	strace s18  }
0x93: {  	s3 =	sld [smem:$0x3FFC];
	_ =	sdelay $0x3  }
0x94: {  	_ =	strace s3  }
0x95: {  	s3 =	sld [smem:$0x3FFD];
	_ =	sdelay $0x3  }
0x96: {  	_ =	strace s3  }
0x97: {  	_ =	strace $0x8FFFFFFF  }
0x98: {  	s19 =	sld [smem:$0x3FDB];
	_ =	sdelay $0x1  }
0x99: {  	s4 =	simm.s32 $_scs_section_size  }
0x9a: {  	s5 =	simm.s32 $_size__tile_overlayer_lowered;
	s6 =	simm.s32 $_tile_overlayer_lowered  }
0x9b: {  	s22 =	simm.s32 $0x1BFF;
	s21 =	sshll.u32 s6, $0x1;
	s3 =	sadd.s32 s4, s19  }
0x9c: {  	s7 =	simm.s32 $0x0;
	s20 =	sshll.u32 s5, $0x1;
	s5 =	sadd.s32 s21, s3  }
0x9d: {  	[timem:s7], [sflag:s22] =	dma.local [hbm:s5], s20  }
0x9e: {  	_ =	swait.ge [sflag:s22], s20  }
0x9f: {  	s4 =	ssub.s32 $0x0, s20;
	[sflag:s22] =	ssyncset.done $0x0  }
0xa0: {  	[sflag:s22] =	ssyncadd.s32 s4;
	_ =	sdelay $0x1  }
0xa1: {  	s23 =	simm.s32 $0x1B8B  }
0xa2: {  	_ =	swait.ge [sflag:s23], $0x1  }
0xa3: {  	[sflag:s23] =	ssyncset.done $0x0  }
0xa4: {  	s25 =	simm.s32 $0x1B8E;
	s24 =	sld [smem:$0x3FFE];
	[sflag:s23] =	ssyncadd.s32 $0xFFFFFFFF  }
0xa5: {  	s26 =	simm.s32 $execute0_lowered;
	[smem:$0x3FD2] =	sst s25  }
0xa6: {  	s5 =	sshll.u32 s26, $0x1;
	_ =	strace $0x80000049;
	[dreg:$0x1] =	wrdreg $0xFFFFFFFF  }
0xa7: {  	s28 =	simm.s32 $_size_execute0_lowered;
	s3 =	sadd.s32 s3, s5;
	[dreg:$0x0] =	wrdreg $0x0  }
0xa8: {  	s5 =	sshll.u32 s28, $0x1;
	[dreg:$0x2] =	wrdreg s3  }
0xa9: {  	[dreg:$0x3] =	wrdreg s5  }
0xaa: {  	[dreg:$0x4] =	wrdreg $0xC0  }
0xab: {  	_ =	task [dreg:s7], $0x5FFFF  }
0xac: {  	[dreg:$0x1] =	wrdreg $0xFFFFFFFF  }
0xad: {  	[dreg:$0x0] =	wrdreg $0x60  }
0xae: {  	[dreg:$0x2] =	wrdreg s24  }
0xaf: {  	[dreg:$0x3] =	wrdreg s2  }
0xb0: {  	[dreg:$0x4] =	wrdreg $0x0  }
0xb1: {  	[dreg:$0x5] =	wrdreg $0x9  }
0xb2: {  	_ =	task.clear_ibuf [dreg:s7], $0x6FFFF;
	_ =	strace $0x90000049  }
0xb3: {  	s29 =	simm.s32 $0x9;
	_ =	strace $0x8000004B  }
0xb4: {  	_ =	swait.ge [sflag:s29], $0x1  }
0xb5: {  	[sflag:s29] =	ssyncadd.s32 $0xFFFFFFFF  }
0xb6: {  	_ =	strace $0x9000004B  }
0xb7: {  	_ =	sfence  }
0xb8: {  	s30 =	sld [smem:$0x0];
	_ =	sdelay $0x2  }
0xb9: {  	s31 =	sshll.u32 s1, $0xD;
	s1 =	sshrl.u32 s1, $0x2  }
0xba: {  	s3 =	sand.u32 $0x4000, s31;
	s1 =	sadd.s32 s1, s30  }
0xbb: {  	s0 =	sor.u32 s3, s0;
	s1 =	sshll.u32 s1, $0x11  }
0xbc: {  	s0 =	sor.u32 s1, s0  }
0xbd: {  	s0 =	sadd.s32 $0x8F2B, s0  }
0xbe: {  	[sflag:s0] =	ssyncadd.remote.s32 $0x1  }
0xbf: {  	_ =	sfence.sel $0xFFFF  }
0xc0: {  	[dreg:$0x0] =	wrdreg $0xFFFFFFFF;
	(pc) =	sbr.abs _section_cstart, $3  }
0xc1: {  	[dreg:$0x1] =	wrdreg $0xFFFFFFFF  }
0xc2: {  	_ =	task.clear_ibuf [dreg:s7], $0x2FFFF;
	_ =	strace $0x9FFFFFFF  }
0xc3: {  	(tm) =	ssettm $0x7FFFFFFF  }
tec
execute0_lowered:
.L_overlay_start_1:
0x0: {  	(tag) =	ssettag $0x1  }
0x1: {  	s0 =	rddreg [dreg:$0x0]  }
0x2: {  	s2 =	rddreg [dreg:$0x1]  }
0x3: {  	s1 =	rddreg [dreg:$0x2]  }
0x4: {  	s3 =	simm.s32 $0x0;
	s5 =	srdreg.scid;
	s12 =	stileid.u32  }
0x5: {  	s28 =	simm.s32 $0x14200;
	s29 =	simm.s32 $0x7;
	s30 =	simm.s32 $0x14000  }
0x6: {  	s31 =	simm.s32 $0x14100;
	[smem:$0x7FF] =	sst s3;
	s7 =	smul.u32 $0x7A, s12  }
0x7: {  	s4 =	sadd.s32 $0xC200, s0;
	s6 =	sand.u32 $0x1, s5;
	s9 =	smul.u32 $0x26, s12  }
0x8: {  	s8 =	sadd.s32 $0x2000, s0;
	s0 =	sadd.s32 $0x34200, s0;
	s11 =	smul.u32 $0x50000, s12  }
0x9: {  	s25 =	smul.u32 $0x280, s12;
	_ =	strace $0x8000004A;
	s5 =	ssub.s32 $0x2, s6  }
0xa: {  	p0 =	seq.s32 s6, $0x0;
	s6 =	smul.u32 $0x2800, s6;
	s10 =	sshrl.u32 s5, $0x1  }
0xb: {  	s24 =	sshrl.u32 s11, $0x2;
	s15 =	sadd.s32 $0x80, s25;
	s18 =	sadd.s32 $0x100, s25  }
0xc: {  	s20 =	sadd.s32 $0x180, s25;
	s11 =	sadd.s32 $0x200, s25;
	s10 =	ssub.s32 s5, s10  }
0xd: {  	s5 =	sadd.s32 $0x7A0, s9;
	s9 =	simm.s32 $0x13;
	s26 =	sadd.s32 s6, s25  }
0xe: {  	s17 =	sshll.u32 s15, $0x7;
	s19 =	sshll.u32 s18, $0x7;
	s7 =	smov.u32 @p0 s5  }
0xf: {  	s21 =	sshll.u32 s20, $0x7;
	s5 =	sadd.s32 s24, s1;
	s7 =	sshll.u32 s7, $0x4  }
0x10: {  	s14 =	sadd.s32 $0xC000, s5;
	s16 =	sadd.s32 $0x10000, s5;
	s12 =	sadd.s32 s2, s7  }
0x11: {  	s13 =	sadd.s32 s8, s7;
	s7 =	sor.u32 $0x10, s7;
	[dreg:$0xa] =	wrdreg s14  }
0x12: {  	s9 =	simm.s32 @!p0 $0x3D;
	[dreg:$0xb] =	wrdreg s16;
	s2 =	sadd.s32 s2, s7  }
0x13: {  	s14 =	simm.s32 $0x6;
	s7 =	sadd.s32 s8, s7;
	[dreg:$0x4] =	wrdreg s2  }
0x14: {  	s8 =	sadd.s32 $0x4000, s5;
	s23 =	smov.u32 s13;
	[dreg:$0x5] =	wrdreg s7  }
0x15: {  	s2 =	sshll.u32 s26, $0x4;
	s7 =	smax.u32 s10, $0x1;
	[dreg:$0x8] =	wrdreg s8  }
0x16: {  	s10 =	sadd.s32 $0x8000, s5;
	s8 =	sadd.s32 s6, s18;
	[dreg:$0x7] =	wrdreg s7  }
0x17: {  	s2 =	sadd.s32 s0, s2;
	[dreg:$0x9] =	wrdreg s10;
	s7 =	sadd.s32 s17, s1  }
0x18: {  	s8 =	sshll.u32 s8, $0x4;
	s10 =	sadd.s32 s6, s20;
	[dreg:$0x6] =	wrdreg s2  }
0x19: {  	s2 =	sadd.s32 s6, s15;
	s8 =	sadd.s32 s0, s8;
	s6 =	sadd.s32 s6, s11  }
0x1a: {  	s10 =	sshll.u32 s10, $0x4;
	s11 =	sshll.u32 s11, $0x7;
	s25 =	sshrl.u32 s7, $0x3  }
0x1b: {  	s7 =	simm.s32 $0x1;
	s15 =	simm.s32 $0x0;
	s2 =	sshll.u32 s2, $0x4  }
0x1c: {  	[dreg:$0xd] =	wrdreg s8;
	s8 =	sadd.s32 s21, s1;
	s6 =	sshll.u32 s6, $0x4  }
0x1d: {  	s10 =	sadd.s32 s0, s10;
	s22 =	sadd.s32 s11, s1;
	[dreg:$0x10] =	wrdreg s25  }
0x1e: {  	s11 =	simm.s32 $0x18200;
	s2 =	sadd.s32 s0, s2;
	[dreg:$0xe] =	wrdreg s10  }
0x1f: {  	s0 =	sadd.s32 s0, s6;
	s24 =	sshrl.u32 s8, $0x3;
	s25 =	sshrl.u32 s22, $0x3  }
0x20: {  	s22 =	smov.u32 s12;
	s8 =	simm.s32 $0x3;
	s10 =	simm.s32 $0x80  }
0x21: {  	s6 =	simm.s32 $0x4;
	[dreg:$0xc] =	wrdreg s2;
	s2 =	sadd.s32 s19, s1  }
0x22: {  	[dreg:$0xf] =	wrdreg s0;
	s19 =	sadd.s32 $0x30, s13;
	s0 =	simm.s32 $0x14080  }
0x23: {  	s13 =	simm.s32 $0x2;
	s26 =	sshrl.u32 s2, $0x3;
	s2 =	simm.s32 $0x14180  }
0x24: {  	v0 =	vimm.f32 $0.0e+00;
	[dreg:$0x11] =	wrdreg s26;
	s26 =	sadd.s32 $0x30, s12;
	s12 =	simm.s32 $0x5  }
.LBB2_1:
0x25: {  	s16 =	simm.s32 $0x0;
	s17 =	simm.s32 $0x200  }
.LBB2_2:
0x26: {  	p0 =	sne.s32 s17, $0xFE00;
	[tilespmem:s16+$0x14270] =	vst v0  }
0x27: {  	[tilespmem:s16+$0x14200] =	vst v0  }
0x28: {  	[tilespmem:s16+$0x14210] =	vst v0  }
.Ltmp0:
0x29: {  	[tilespmem:s16+$0x14220] =	vst v0;
	(pc) =	sbr.rel @p0 .LBB2_2-.Ltmp0, $4  }
0x2a: {  	[tilespmem:s16+$0x14230] =	vst v0  }
0x2b: {  	[tilespmem:s16+$0x14240] =	vst v0  }
0x2c: {  	[tilespmem:s16+$0x14250] =	vst v0  }
0x2d: {  	[tilespmem:s16+$0x14260] =	vst v0;
	s16 =	sshra.s32 s17, $0x2;
	s17 =	sadd.s32 $0x200, s17  }
0x2e: {  	[tilespmem:s16+$0x14270] =	vst v0  }
0x2f: {  	[tilespmem:s16+$0x14200] =	vst v0  }
0x30: {  	[tilespmem:s16+$0x14210] =	vst v0  }
0x31: {  	[tilespmem:s16+$0x14220] =	vst v0  }
0x32: {  	[tilespmem:s16+$0x14230] =	vst v0  }
0x33: {  	[tilespmem:s16+$0x14240] =	vst v0  }
0x34: {  	[tilespmem:s16+$0x14250] =	vst v0  }
0x35: {  	[tilespmem:s16+$0x14260] =	vst v0  }
0x36: {  	[spmem:s5] =	stream.linear.scatter [tilespmem:s28], [sflag:$0x7], $0x4000, $0x38;
	[tilespmem:$0x1C200] =	vst v63  }
0x37: {  	_ =	swait.ge [sflag:s29], $0x4000  }
0x38: {  	[sflag:s29] =	ssyncset.done $0x0  }
0x39: {  	s17 =	rddreg [dreg:$0x8];
	[sflag:s29] =	ssyncadd.s32 $0xFFFFC000  }
0x3a: {  	[spmem:s17] =	stream.linear.scatter [tilespmem:s28], [sflag:$0x7], $0x4000, $0x38;
	[tilespmem:$0x1C200] =	vst v63  }
0x3b: {  	_ =	swait.ge [sflag:s29], $0x4000  }
0x3c: {  	[sflag:s29] =	ssyncset.done $0x0  }
0x3d: {  	s18 =	rddreg [dreg:$0x9];
	[sflag:s29] =	ssyncadd.s32 $0xFFFFC000  }
0x3e: {  	[spmem:s18] =	stream.linear.scatter [tilespmem:s28], [sflag:$0x7], $0x4000, $0x38;
	[tilespmem:$0x1C200] =	vst v63  }
0x3f: {  	_ =	swait.ge [sflag:s29], $0x4000  }
0x40: {  	[sflag:s29] =	ssyncset.done $0x0  }
0x41: {  	s20 =	rddreg [dreg:$0xa];
	[sflag:s29] =	ssyncadd.s32 $0xFFFFC000  }
0x42: {  	[spmem:s20] =	stream.linear.scatter [tilespmem:s28], [sflag:$0x7], $0x4000, $0x38;
	[tilespmem:$0x1C200] =	vst v63  }
0x43: {  	_ =	swait.ge [sflag:s29], $0x4000  }
0x44: {  	[sflag:s29] =	ssyncset.done $0x0  }
0x45: {  	s21 =	rddreg [dreg:$0xb];
	[sflag:s29] =	ssyncadd.s32 $0xFFFFC000  }
0x46: {  	[spmem:s21] =	stream.linear.scatter [tilespmem:s28], [sflag:$0x7], $0x4000, $0x38;
	[tilespmem:$0x1C200] =	vst v63  }
0x47: {  	_ =	swait.ge [sflag:s29], $0x4000  }
0x48: {  	[sflag:s29] =	ssyncset.done $0x0  }
0x49: {  	[sflag:s29] =	ssyncadd.s32 $0xFFFFC000  }
0x4a: {  	[bflag:$0x0] =	sbarrier.arrive $0xFFFF  }
0x4b: {  	[tilespmem:s30], [sflag:$0x3] =	stream.linear.gather [hbm4b:s22+s3], $0x80, $0x38;
	[tilespmem:$0x1C200] =	vst v63  }
0x4c: {  	_ = 	snop  }
0x4d: {  	[tilespmem:s31], [sflag:$0x5] =	stream.linear.gather [hbm4b:s23+s3], $0x80, $0x38;
	[tilespmem:$0x1C200] =	vst v63  }
0x4e: {  	s17 =	rddreg [dreg:$0x4]  }
0x4f: {  	[tilespmem:s0], [sflag:$0x4] =	stream.linear.gather [hbm4b:s17+s3], $0x80, $0x38;
	[tilespmem:$0x1C200] =	vst v63  }
0x50: {  	s18 =	rddreg [dreg:$0x5]  }
0x51: {  	[tilespmem:s2], [sflag:$0x6] =	stream.linear.gather [hbm4b:s18+s3], $0x80, $0x38;
	[tilespmem:$0x1C200] =	vst v63  }
0x52: {  	_ =	swait.ge [sflag:s8], $0x80  }
0x53: {  	[sflag:s8] =	ssyncset.done $0x0  }
0x54: {  	[sflag:s8] =	ssyncadd.s32 $0xFFFFFF80  }
0x55: {  	[tilespmem:s28], [sflag:$0x1] =	stream.indirect.gather [hbm4b:s4+s10], $0x80, s30, s10, $0xb8;
	[tilespmem:$0x1C200] =	vst v63  }
0x56: {  	_ =	swait.ge [sflag:s6], $0x80  }
0x57: {  	[sflag:s6] =	ssyncset.done $0x0  }
0x58: {  	[sflag:s6] =	ssyncadd.s32 $0xFFFFFF80  }
0x59: {  	[tilespmem:s11], [sflag:$0x2] =	stream.indirect.gather [hbm4b:s4+s10], $0x80, s0, s10, $0xb8;
	[tilespmem:$0x1C200] =	vst v63  }
0x5a: {  	_ =	swait.ge [sflag:s7], $0x4000  }
0x5b: {  	[sflag:s7] =	ssyncset.done $0x0  }
0x5c: {  	s20 =	sadd.s32 $0xFFFFFFF0, s26;
	[sflag:s7] =	ssyncadd.s32 $0xFFFFC000  }
0x5d: {  	[tilespmem:s30], [sflag:$0x3] =	stream.linear.gather [hbm4b:s20+s3], $0x80, $0x38;
	[tilespmem:$0x1C200] =	vst v63  }
0x5e: {  	_ =	swait.ge [sflag:s12], $0x80  }
0x5f: {  	[sflag:s12] =	ssyncset.done $0x0  }
0x60: {  	[sflag:s12] =	ssyncadd.s32 $0xFFFFFF80  }
0x61: {  	[spmem:s1] =	stream.indirect.scatter.add.f32 [tilespmem:s28], [sflag:$0x7], $0x80, s31, s10, $0xb8;
	[tilespmem:$0x1C200] =	vst v63  }
0x62: {  	_ =	swait.ge [sflag:s29], $0x4000  }
0x63: {  	[sflag:s29] =	ssyncset.done $0x0  }
0x64: {  	s21 =	sadd.s32 $0xFFFFFFF0, s19;
	[sflag:s29] =	ssyncadd.s32 $0xFFFFC000  }
0x65: {  	[tilespmem:s31], [sflag:$0x5] =	stream.linear.gather [hbm4b:s21+s3], $0x80, $0x38;
	[tilespmem:$0x1C200] =	vst v63  }
0x66: {  	_ =	swait.ge [sflag:s8], $0x80  }
0x67: {  	[sflag:s8] =	ssyncset.done $0x0  }
0x68: {  	[sflag:s8] =	ssyncadd.s32 $0xFFFFFF80  }
0x69: {  	[tilespmem:s28], [sflag:$0x1] =	stream.indirect.gather [hbm4b:s4+s10], $0x80, s30, s10, $0xb8;
	[tilespmem:$0x1C200] =	vst v63  }
0x6a: {  	_ =	swait.ge [sflag:s13], $0x4000  }
0x6b: {  	[sflag:s13] =	ssyncset.done $0x0  }
0x6c: {  	[sflag:s13] =	ssyncadd.s32 $0xFFFFC000  }
0x6d: {  	[tilespmem:s0], [sflag:$0x4] =	stream.linear.gather [hbm4b:s26+s3], $0x80, $0x38;
	[tilespmem:$0x1C200] =	vst v63  }
0x6e: {  	_ =	swait.ge [sflag:s14], $0x80  }
0x6f: {  	p0 =	sne.s32 s9, $0x1;
	[sflag:s14] =	ssyncset.done $0x0  }
.Ltmp1:
0x70: {  	[sflag:s14] =	ssyncadd.s32 $0xFFFFFF80;
	(pc) =	sbr.rel @!p0 .LBB2_5-.Ltmp1, $4  }
0x71: {  	[spmem:s1] =	stream.indirect.scatter.add.f32 [tilespmem:s11], [sflag:$0x7], $0x80, s2, s10, $0xb8;
	[tilespmem:$0x1C200] =	vst v63  }
0x72: {  	_ =	swait.ge [sflag:s29], $0x4000  }
0x73: {  	s16 =	sadd.s32 $0xFFFFFFFF, s9;
	s17 =	sadd.s32 $0x20, s19;
	[sflag:s29] =	ssyncset.done $0x0  }
0x74: {  	s18 =	sadd.s32 $0x20, s26;
	s21 =	smov.u32 s19;
	[sflag:s29] =	ssyncadd.s32 $0xFFFFC000  }
.LBB2_4:
0x75: {  	[tilespmem:s2], [sflag:$0x6] =	stream.linear.gather [hbm4b:s21+s3], $0x80, $0x38;
	[tilespmem:$0x1C200] =	vst v63  }
0x76: {  	p0 =	sne.s32 s16, $0x1;
	s16 =	sadd.s32 $0xFFFFFFFF, s16;
	_ =	swait.ge [sflag:s6], $0x80  }
0x77: {  	s21 =	smov.u32 s17;
	[sflag:s6] =	ssyncset.done $0x0  }
0x78: {  	[sflag:s6] =	ssyncadd.s32 $0xFFFFFF80  }
0x79: {  	[tilespmem:s11], [sflag:$0x2] =	stream.indirect.gather [hbm4b:s4+s10], $0x80, s0, s10, $0xb8;
	[tilespmem:$0x1C200] =	vst v63  }
0x7a: {  	_ =	swait.ge [sflag:s7], $0x4000  }
0x7b: {  	[sflag:s7] =	ssyncset.done $0x0  }
0x7c: {  	s20 =	sadd.s32 $0xFFFFFFF0, s18;
	[sflag:s7] =	ssyncadd.s32 $0xFFFFC000  }
0x7d: {  	[tilespmem:s30], [sflag:$0x3] =	stream.linear.gather [hbm4b:s20+s3], $0x80, $0x38;
	[tilespmem:$0x1C200] =	vst v63  }
0x7e: {  	_ =	swait.ge [sflag:s12], $0x80  }
0x7f: {  	[sflag:s12] =	ssyncset.done $0x0  }
0x80: {  	[sflag:s12] =	ssyncadd.s32 $0xFFFFFF80  }
0x81: {  	[spmem:s1] =	stream.indirect.scatter.add.f32 [tilespmem:s28], [sflag:$0x7], $0x80, s31, s10, $0xb8;
	[tilespmem:$0x1C200] =	vst v63  }
0x82: {  	_ =	swait.ge [sflag:s29], $0x4000  }
0x83: {  	[sflag:s29] =	ssyncset.done $0x0  }
0x84: {  	s20 =	sadd.s32 $0xFFFFFFF0, s17;
	[sflag:s29] =	ssyncadd.s32 $0xFFFFC000  }
0x85: {  	[tilespmem:s31], [sflag:$0x5] =	stream.linear.gather [hbm4b:s20+s3], $0x80, $0x38;
	[tilespmem:$0x1C200] =	vst v63  }
0x86: {  	_ =	swait.ge [sflag:s8], $0x80  }
0x87: {  	[sflag:s8] =	ssyncset.done $0x0  }
0x88: {  	[sflag:s8] =	ssyncadd.s32 $0xFFFFFF80  }
0x89: {  	[tilespmem:s28], [sflag:$0x1] =	stream.indirect.gather [hbm4b:s4+s10], $0x80, s30, s10, $0xb8;
	[tilespmem:$0x1C200] =	vst v63  }
0x8a: {  	_ =	swait.ge [sflag:s13], $0x4000  }
0x8b: {  	[sflag:s13] =	ssyncset.done $0x0  }
0x8c: {  	[sflag:s13] =	ssyncadd.s32 $0xFFFFC000  }
0x8d: {  	[tilespmem:s0], [sflag:$0x4] =	stream.linear.gather [hbm4b:s18+s3], $0x80, $0x38;
	[tilespmem:$0x1C200] =	vst v63  }
0x8e: {  	_ =	swait.ge [sflag:s14], $0x80  }
0x8f: {  	[sflag:s14] =	ssyncset.done $0x0  }
.Ltmp2:
0x90: {  	[sflag:s14] =	ssyncadd.s32 $0xFFFFFF80;
	(pc) =	sbr.rel @p0 .LBB2_4-.Ltmp2, $4  }
0x91: {  	[spmem:s1] =	stream.indirect.scatter.add.f32 [tilespmem:s11], [sflag:$0x7], $0x80, s2, s10, $0xb8;
	[tilespmem:$0x1C200] =	vst v63  }
0x92: {  	_ =	swait.ge [sflag:s29], $0x4000  }
0x93: {  	[sflag:s29] =	ssyncset.done $0x0  }
0x94: {  	s17 =	sadd.s32 $0x20, s17;
	s18 =	sadd.s32 $0x20, s18;
	[sflag:s29] =	ssyncadd.s32 $0xFFFFC000  }
.LBB2_5:
0x95: {  	[tilespmem:s2], [sflag:$0x6] =	stream.linear.gather [hbm4b:s21+s3], $0x80, $0x38;
	[tilespmem:$0x1C200] =	vst v63  }
0x96: {  	_ =	swait.ge [sflag:s7], $0x4000  }
0x97: {  	[sflag:s7] =	ssyncset.done $0x0  }
0x98: {  	[sflag:s7] =	ssyncadd.s32 $0xFFFFC000  }
0x99: {  	_ =	swait.ge [sflag:s6], $0x80  }
0x9a: {  	[sflag:s6] =	ssyncset.done $0x0  }
0x9b: {  	[sflag:s6] =	ssyncadd.s32 $0xFFFFFF80  }
0x9c: {  	_ =	swait.ge [sflag:s12], $0x80  }
0x9d: {  	[sflag:s12] =	ssyncset.done $0x0  }
0x9e: {  	[sflag:s12] =	ssyncadd.s32 $0xFFFFFF80  }
0x9f: {  	_ =	swait.ge [sflag:s14], $0x80  }
0xa0: {  	[sflag:s14] =	ssyncset.done $0x0  }
0xa1: {  	s16 =	stileid.u32;
	[sflag:s14] =	ssyncadd.s32 $0xFFFFFF80  }
0xa2: {  	s16 =	sshll.u32 s16, $0x6;
	[bflag:$0x0] =	sbarrier.arrive $0xFFFF  }
0xa3: {  	s17 =	sshrl.u32 s5, $0x3;
	s16 =	sor.u32 $0x1C07, s16;
	s18 =	rddreg [dreg:$0x6]  }
0xa4: {  	[hbm:s18], [sflag:s16] =	dma.local [spmem:s17], $0x800  }
0xa5: {  	_ =	swait.ge [sflag:s29], $0x800  }
0xa6: {  	[sflag:s29] =	ssyncset.done $0x0;
	s20 =	rddreg [dreg:$0xc]  }
0xa7: {  	s21 =	rddreg [dreg:$0x10];
	[sflag:s29] =	ssyncadd.s32 $0xFFFFF800  }
0xa8: {  	[hbm:s20], [sflag:s16] =	dma.local [spmem:s21], $0x800  }
0xa9: {  	_ =	swait.ge [sflag:s29], $0x800  }
0xaa: {  	[sflag:s29] =	ssyncset.done $0x0;
	s20 =	rddreg [dreg:$0xd]  }
0xab: {  	s21 =	rddreg [dreg:$0x11];
	[sflag:s29] =	ssyncadd.s32 $0xFFFFF800  }
0xac: {  	[hbm:s20], [sflag:s16] =	dma.local [spmem:s21], $0x800  }
0xad: {  	_ =	swait.ge [sflag:s29], $0x800  }
0xae: {  	[sflag:s29] =	ssyncset.done $0x0  }
0xaf: {  	s18 =	rddreg [dreg:$0xe];
	[sflag:s29] =	ssyncadd.s32 $0xFFFFF800  }
0xb0: {  	[hbm:s18], [sflag:s16] =	dma.local [spmem:s24], $0x800  }
0xb1: {  	_ =	swait.ge [sflag:s29], $0x800  }
0xb2: {  	[sflag:s29] =	ssyncset.done $0x0  }
0xb3: {  	s20 =	rddreg [dreg:$0xf];
	[sflag:s29] =	ssyncadd.s32 $0xFFFFF800  }
0xb4: {  	[hbm:s20], [sflag:s16] =	dma.local [spmem:s25], $0x800  }
0xb5: {  	_ =	swait.ge [sflag:s29], $0x800  }
0xb6: {  	s15 =	sadd.s32 $0x1, s15;
	s21 =	rddreg [dreg:$0x7]  }
0xb7: {  	p0 =	sne.s32 s15, s21  }
.Ltmp3:
0xb8: {  	_ = 	snop;
	(pc) =	sbr.rel @p0 .LBB2_1-.Ltmp3, $3  }
0xb9: {  	_ =	sdelay $0x1  }
0xba: {  	[sflag:s29] =	ssyncset.done $0x0  }
0xbb: {  	[sflag:s29] =	ssyncadd.s32 $0xFFFFF800  }
0xbc: {  	_ =	sfence.sel $0x180000  }
0xbd: {  	[bflag:$0x0] =	sbarrier.arrive $0xFFFF  }
0xbe: {  	_ =	strace $0x9000004A  }
0xbf: {  	s0 =	stileid.u32;
	[bflag:$0x2] =	sbarrier.arrive $0xFFFF  }
0xc0: {  	p0 =	sne.s32 s0, $0x0;
	s0 =	rddreg [dreg:$0x3]  }
0xc1: {  	s0 =	sadd.s32 @!p0 $0x100000, s0  }
0xc2: {  	[sflag:s0] =	ssyncadd.tile.s32 @!p0 $0x1;
	_ =	shalt  }
.Lfunc_end2:
_tile_overlayer_lowered:
.L_overlay_start_2:
0xc3: {  	(tag) =	ssettag $0x2  }
0xc4: {  	s0 =	rddreg [dreg:$0x0];
	s2 =	stileid.u32  }
0xc5: {  	s1 =	rddreg [dreg:$0x1];
	p0 =	sne.s32 s2, $0x0  }
0xc6: {  	s3 =	rddreg [dreg:$0x2];
	[bflag:$0x3] =	sbarrier.arrive $0xFFFF;
	s2 =	simm.s32 @!p0 $0x1C07  }
0xc7: {  	[timem:s3], [sflag:s2] =	dma.local @!p0 [hbm:s0], s1  }
0xc8: {  	s0 =	simm.s32 @!p0 $0x7  }
0xc9: {  	_ =	swait.ge @!p0 [sflag:s0], s1  }
0xca: {  	s1 =	ssub.s32 @!p0 $0x0, s1;
	[sflag:s0] =	ssyncset.done @!p0 $0x0  }
0xcb: {  	[sflag:s0] =	ssyncadd.s32 @!p0 s1  }
0xcc: {  	[bflag:$0x3] =	sbarrier.arrive $0xFFFF  }
0xcd: {  	_ =	shalt  }

</sc_bundles>
